<compile_context>
chip_gen: v7x
topology: tpu7x:2x2x1
jax: 0.10.2.dev20260603
libtpu: 0.0.44.dev20260713+nightly
codegen_flags: <defaults>
</compile_context>

<pallas_src>
import functools

import jax
import jax.numpy as jnp
from jax import lax
from jax.experimental import pallas as pl
from jax.experimental.pallas import tpu as pltpu
from jax.experimental.pallas import tpu_sc as plsc

_N_EXPERTS = 64
_N_TOKENS = 32768
_EMA_ALPHA = 0.1
_TOTAL_CAPACITY = 2.0
_MIN_CAPACITY = 0.5

_L = 16
_NS = 16
_TOK_PER_TILE = _N_TOKENS // _NS
_NJ = _N_EXPERTS // _L


def _body(route_hbm, ema_hbm, caps_hbm, nema_hbm,
          ids_v, hist_v, red_v, ema_v, caps_v, nema_v, shared, sem, sem2):
    c = lax.axis_index("c")
    s = lax.axis_index("s")
    base = s * _TOK_PER_TILE
    cp = pltpu.async_copy(route_hbm.at[pl.ds(base, _TOK_PER_TILE)], ids_v, sem)

    @pl.when(jnp.logical_and(c == 0, s == 0))
    def _prefetch_ema():
        pltpu.make_async_copy(ema_hbm, ema_v, sem2).start()

    zeros = jnp.zeros((_L,), jnp.float32)
    for k in range(_N_EXPERTS // _L):
        hist_v[pl.ds(k * _L, _L)] = zeros
    cp.wait()

    ones = jnp.ones((_L,), jnp.float32)
    for i in range(_TOK_PER_TILE // _L):
        ids = ids_v[pl.ds(i * _L, _L)]
        plsc.addupdate_scatter(hist_v, [ids], ones)

    pltpu.sync_copy(hist_v, shared.at[pl.ds(s * _N_EXPERTS, _N_EXPERTS)])
    plsc.subcore_barrier()

    @pl.when(jnp.logical_and(c == 0, s == 0))
    def _epilogue():
        pltpu.sync_copy(shared, red_v)
        pltpu.make_async_copy(ema_hbm, ema_v, sem2).wait()

        counts = []
        for j in range(_NJ):
            acc = red_v[pl.ds(j * _L, _L)]
            for r in range(1, _NS):
                acc = acc + red_v[pl.ds(r * _N_EXPERTS + j * _L, _L)]
            counts.append(acc)

        inv_n = 1.0 / _N_TOKENS
        nema = [(1.0 - _EMA_ALPHA) * ema_v[pl.ds(j * _L, _L)]
                + _EMA_ALPHA * (counts[j] * inv_n) for j in range(_NJ)]
        inv = [1.0 / (nema[j] + 1e-6) for j in range(_NJ)]
        inv_sum = jnp.sum(inv[0] + inv[1] + inv[2] + inv[3])
        cf = [0.7 / _N_EXPERTS + 0.3 * (inv[j] / inv_sum) for j in range(_NJ)]
        cf = [jnp.maximum(x, _MIN_CAPACITY / _N_EXPERTS) for x in cf]
        cf_sum = jnp.sum(cf[0] + cf[1] + cf[2] + cf[3])
        tot = jnp.sum(counts[0] + counts[1] + counts[2] + counts[3]) * _TOTAL_CAPACITY
        for j in range(_NJ):
            caps_f = (cf[j] / cf_sum) * tot
            caps_v[pl.ds(j * _L, _L)] = jnp.maximum(caps_f.astype(jnp.int32), 1)
            nema_v[pl.ds(j * _L, _L)] = nema[j]

        cp_caps = pltpu.make_async_copy(caps_v, caps_hbm, sem2)
        cp_nema = pltpu.make_async_copy(nema_v, nema_hbm, sem2)
        cp_caps.start()
        cp_nema.start()
        cp_caps.wait()
        cp_nema.wait()


_sc_call = functools.partial(
    pl.kernel,
    out_type=[
        jax.ShapeDtypeStruct((_N_EXPERTS,), jnp.int32),
        jax.ShapeDtypeStruct((_N_EXPERTS,), jnp.float32),
    ],
    mesh=plsc.VectorSubcoreMesh(
        core_axis_name="c", subcore_axis_name="s", num_cores=1),
    compiler_params=pltpu.CompilerParams(needs_layout_passes=False),
    scratch_types=[
        pltpu.VMEM((_TOK_PER_TILE,), jnp.int32),
        pltpu.VMEM((_N_EXPERTS,), jnp.float32),
        pltpu.VMEM((_NS * _N_EXPERTS,), jnp.float32),
        pltpu.VMEM((_N_EXPERTS,), jnp.float32),
        pltpu.VMEM((_N_EXPERTS,), jnp.int32),
        pltpu.VMEM((_N_EXPERTS,), jnp.float32),
        pltpu.VMEM_SHARED((_NS * _N_EXPERTS,), jnp.float32),
        pltpu.SemaphoreType.DMA,
        pltpu.SemaphoreType.DMA,
    ],
)(_body)


def kernel(route_ids, load_ema, batch_size):
    del batch_size
    caps, nema = _sc_call(route_ids, load_ema)
    return caps, nema

# --- scband reference (transcript-rebuilt; emitter-appended) ---
"""Pipeline reference for scband-dynamic-expert-allocation-40355512714065 (READ-ONLY COPY).

The authoritative reference and input builder live on the scoring server;
editing this copy changes nothing except your own understanding.
"""

import jax, jax.numpy as jnp
import numpy as np

N_EXPERTS = 64
TOTAL_CAPACITY = 2.0
EMA_ALPHA = 0.1
MIN_CAPACITY = 0.5
N_TOKENS = 32768


def setup_inputs(seed: int = 0) -> dict:
    key = jax.random.key(seed)
    k1, _ = jax.random.split(key)
    route_ids = jax.random.randint(k1, (N_TOKENS,), 0, N_EXPERTS, dtype=jnp.int32)
    # load_ema buffer, initialized as in the torch module: uniform 1/n_experts
    load_ema = jnp.ones((N_EXPERTS,), dtype=jnp.float32) / N_EXPERTS
    return {"route_ids": route_ids, "load_ema": load_ema, "batch_size": N_TOKENS}


def reference(route_ids, load_ema, batch_size):
    # update_load: histogram of expert assignments, normalized to fractions
    N = route_ids.shape[0]
    counts = jnp.zeros((N_EXPERTS,), dtype=jnp.float32).at[route_ids].add(1.0) / N
    new_ema = (1.0 - EMA_ALPHA) * load_ema + EMA_ALPHA * counts
    # get_capacities
    inv_load = 1.0 / (new_ema + 1e-06)
    inv_load = inv_load / inv_load.sum()
    uniform = jnp.ones((N_EXPERTS,), dtype=jnp.float32) / N_EXPERTS
    capacity_frac = 0.7 * uniform + 0.3 * inv_load
    capacity_frac = jnp.maximum(capacity_frac, MIN_CAPACITY / N_EXPERTS)
    capacity_frac = capacity_frac / capacity_frac.sum()
    total_tokens = batch_size * TOTAL_CAPACITY
    capacities = jnp.maximum((capacity_frac * total_tokens).astype(jnp.int32), 1)
    return capacities, new_ema

if __name__ == "__main__":
    import jax
    _d = setup_inputs()
    print(jax.jit(kernel)(*tuple(_d.values())))

</pallas_src>

<mosaic_0001>
#map = affine_map<(d0, d1) -> (0)>
module attributes {stable_mosaic.version = 14 : i64} {
  func.func @_body(%arg0: i32, %arg1: i32, %arg2: memref<32768xi32, #tpu.memory_space<hbm>>, %arg3: memref<64xf32, #tpu.memory_space<hbm>>, %arg4: memref<64xi32, #tpu.memory_space<hbm>>, %arg5: memref<64xf32, #tpu.memory_space<hbm>>, %arg6: memref<2048xi32, #tpu.memory_space<vmem>>, %arg7: memref<64xf32, #tpu.memory_space<vmem>>, %arg8: memref<1024xf32, #tpu.memory_space<vmem>>, %arg9: memref<64xf32, #tpu.memory_space<vmem>>, %arg10: memref<64xi32, #tpu.memory_space<vmem>>, %arg11: memref<64xf32, #tpu.memory_space<vmem>>, %arg12: memref<1024xf32, #tpu.memory_space<vmem_shared>>, %arg13: memref<!tpu.dma_semaphore, #tpu.memory_space<semaphore_mem>>, %arg14: memref<!tpu.dma_semaphore, #tpu.memory_space<semaphore_mem>>) attributes {dimension_semantics = [#tpu.dimension_semantics<core_parallel>, #tpu.dimension_semantics<subcore_parallel>], iteration_bounds = array<i64: 1, 16>, scalar_prefetch = 0 : i64, scratch_operands = 9 : i64, tpu.core_type = #tpu.core_type<sc_vector_subcore>, window_params = [{transform_indices = #map}, {transform_indices = #map}, {transform_indices = #map}, {transform_indices = #map}]} {
    %mul3A = arith.constant 2048 : i32
    %mul3A_0 = arith.muli %arg1, %mul3A : i32
    %dma_start3A = tpu.memref_slice %arg2[%mul3A_0] : memref<32768xi32, #tpu.memory_space<hbm>> -> memref<2048xi32, #tpu.memory_space<hbm>>
    %dma_start3A_1 = tpu.memref_slice %arg2[%mul3A_0] : memref<32768xi32, #tpu.memory_space<hbm>> -> memref<2048xi32, #tpu.memory_space<hbm>>
    tpu.enqueue_dma source(%dma_start3A_1 : memref<2048xi32, #tpu.memory_space<hbm>>) target(%arg6 : memref<2048xi32, #tpu.memory_space<vmem>>) target_semaphore(%arg13 : memref<!tpu.dma_semaphore, #tpu.memory_space<semaphore_mem>>)
    %eq3A = arith.constant 0 : i32
    %eq3A_2 = arith.cmpi eq, %arg0, %eq3A : i32
    %eq3A_3 = arith.constant 0 : i32
    %eq3A_4 = arith.cmpi eq, %arg1, %eq3A_3 : i32
    %and3A = arith.andi %eq3A_2, %eq3A_4 : i1
    %convert_element_type3A = arith.extui %and3A : i1 to i32
    %cond3A = arith.constant 0 : i32
    %cond3A_5 = arith.cmpi ne, %convert_element_type3A, %cond3A : i32
    scf.if %cond3A_5 {
      tpu.enqueue_dma source(%arg3 : memref<64xf32, #tpu.memory_space<hbm>>) target(%arg9 : memref<64xf32, #tpu.memory_space<vmem>>) target_semaphore(%arg14 : memref<!tpu.dma_semaphore, #tpu.memory_space<semaphore_mem>>)
    } else {
    }
    %broadcast_in_dim3A = arith.constant 0.000000e+00 : f32
    %broadcast_in_dim3A_6 = vector.broadcast %broadcast_in_dim3A : f32 to vector<16xf32>
    %swap3A = arith.constant 0 : index
    %swap3A_7 = tpu.vector_load %arg7[%swap3A] {strides = array<i32>} : memref<64xf32, #tpu.memory_space<vmem>>, vector<16xf32>,
    tpu.vector_store %arg7[%swap3A], %broadcast_in_dim3A_6 {strides = array<i32>} : memref<64xf32, #tpu.memory_space<vmem>>, vector<16xf32>,
    %swap3A_8 = arith.constant 16 : index
    %swap3A_9 = tpu.vector_load %arg7[%swap3A_8] {strides = array<i32>} : memref<64xf32, #tpu.memory_space<vmem>>, vector<16xf32>,
    tpu.vector_store %arg7[%swap3A_8], %broadcast_in_dim3A_6 {strides = array<i32>} : memref<64xf32, #tpu.memory_space<vmem>>, vector<16xf32>,
    %swap3A_10 = arith.constant 32 : index
    %swap3A_11 = tpu.vector_load %arg7[%swap3A_10] {strides = array<i32>} : memref<64xf32, #tpu.memory_space<vmem>>, vector<16xf32>,
    tpu.vector_store %arg7[%swap3A_10], %broadcast_in_dim3A_6 {strides = array<i32>} : memref<64xf32, #tpu.memory_space<vmem>>, vector<16xf32>,
    %swap3A_12 = arith.constant 48 : index
    %swap3A_13 = tpu.vector_load %arg7[%swap3A_12] {strides = array<i32>} : memref<64xf32, #tpu.memory_space<vmem>>, vector<16xf32>,
    tpu.vector_store %arg7[%swap3A_12], %broadcast_in_dim3A_6 {strides = array<i32>} : memref<64xf32, #tpu.memory_space<vmem>>, vector<16xf32>,
    %dma_wait3A = tpu.memref_slice %arg2[%mul3A_0] : memref<32768xi32, #tpu.memory_space<hbm>> -> memref<2048xi32, #tpu.memory_space<hbm>>
    %dma_wait3A_14 = tpu.memref_slice %arg2[%mul3A_0] : memref<32768xi32, #tpu.memory_space<hbm>> -> memref<2048xi32, #tpu.memory_space<hbm>>
    tpu.wait_dma2 semaphore(%arg13 : memref<!tpu.dma_semaphore, #tpu.memory_space<semaphore_mem>>) src(%dma_wait3A_14 : memref<2048xi32, #tpu.memory_space<hbm>>) dst(%arg6 : memref<2048xi32, #tpu.memory_space<vmem>>)
    %broadcast_in_dim3A_15 = arith.constant 1.000000e+00 : f32
    %broadcast_in_dim3A_16 = vector.broadcast %broadcast_in_dim3A_15 : f32 to vector<16xf32>
    %get3A = arith.constant 0 : index
    %get3A_17 = tpu.vector_load %arg6[%get3A] {strides = array<i32>} : memref<2048xi32, #tpu.memory_space<vmem>>, vector<16xi32>,
    tpu.vector_store_idx %arg7[%get3A_17], %broadcast_in_dim3A_16 {add = true} : memref<64xf32, #tpu.memory_space<vmem>>[vector<16xi32>], vector<16xf32>,
    %get3A_18 = arith.constant 16 : index
    %get3A_19 = tpu.vector_load %arg6[%get3A_18] {strides = array<i32>} : memref<2048xi32, #tpu.memory_space<vmem>>, vector<16xi32>,
    tpu.vector_store_idx %arg7[%get3A_19], %broadcast_in_dim3A_16 {add = true} : memref<64xf32, #tpu.memory_space<vmem>>[vector<16xi32>], vector<16xf32>,
    %get3A_20 = arith.constant 32 : index
    %get3A_21 = tpu.vector_load %arg6[%get3A_20] {strides = array<i32>} : memref<2048xi32, #tpu.memory_space<vmem>>, vector<16xi32>,
    tpu.vector_store_idx %arg7[%get3A_21], %broadcast_in_dim3A_16 {add = true} : memref<64xf32, #tpu.memory_space<vmem>>[vector<16xi32>], vector<16xf32>,
    %get3A_22 = arith.constant 48 : index
    %get3A_23 = tpu.vector_load %arg6[%get3A_22] {strides = array<i32>} : memref<2048xi32, #tpu.memory_space<vmem>>, vector<16xi32>,
    tpu.vector_store_idx %arg7[%get3A_23], %broadcast_in_dim3A_16 {add = true} : memref<64xf32, #tpu.memory_space<vmem>>[vector<16xi32>], vector<16xf32>,
    %get3A_24 = arith.constant 64 : index
    %get3A_25 = tpu.vector_load %arg6[%get3A_24] {strides = array<i32>} : memref<2048xi32, #tpu.memory_space<vmem>>, vector<16xi32>,
    tpu.vector_store_idx %arg7[%get3A_25], %broadcast_in_dim3A_16 {add = true} : memref<64xf32, #tpu.memory_space<vmem>>[vector<16xi32>], vector<16xf32>,
    %get3A_26 = arith.constant 80 : index
    %get3A_27 = tpu.vector_load %arg6[%get3A_26] {strides = array<i32>} : memref<2048xi32, #tpu.memory_space<vmem>>, vector<16xi32>,
    tpu.vector_store_idx %arg7[%get3A_27], %broadcast_in_dim3A_16 {add = true} : memref<64xf32, #tpu.memory_space<vmem>>[vector<16xi32>], vector<16xf32>,
    %get3A_28 = arith.constant 96 : index
    %get3A_29 = tpu.vector_load %arg6[%get3A_28] {strides = array<i32>} : memref<2048xi32, #tpu.memory_space<vmem>>, vector<16xi32>,
    tpu.vector_store_idx %arg7[%get3A_29], %broadcast_in_dim3A_16 {add = true} : memref<64xf32, #tpu.memory_space<vmem>>[vector<16xi32>], vector<16xf32>,
    %get3A_30 = arith.constant 112 : index
    %get3A_31 = tpu.vector_load %arg6[%get3A_30] {strides = array<i32>} : memref<2048xi32, #tpu.memory_space<vmem>>, vector<16xi32>,
    tpu.vector_store_idx %arg7[%get3A_31], %broadcast_in_dim3A_16 {add = true} : memref<64xf32, #tpu.memory_space<vmem>>[vector<16xi32>], vector<16xf32>,
    %get3A_32 = arith.constant 128 : index
    %get3A_33 = tpu.vector_load %arg6[%get3A_32] {strides = array<i32>} : memref<2048xi32, #tpu.memory_space<vmem>>, vector<16xi32>,
    tpu.vector_store_idx %arg7[%get3A_33], %broadcast_in_dim3A_16 {add = true} : memref<64xf32, #tpu.memory_space<vmem>>[vector<16xi32>], vector<16xf32>,
    %get3A_34 = arith.constant 144 : index
    %get3A_35 = tpu.vector_load %arg6[%get3A_34] {strides = array<i32>} : memref<2048xi32, #tpu.memory_space<vmem>>, vector<16xi32>,
    tpu.vector_store_idx %arg7[%get3A_35], %broadcast_in_dim3A_16 {add = true} : memref<64xf32, #tpu.memory_space<vmem>>[vector<16xi32>], vector<16xf32>,
    %get3A_36 = arith.constant 160 : index
    %get3A_37 = tpu.vector_load %arg6[%get3A_36] {strides = array<i32>} : memref<2048xi32, #tpu.memory_space<vmem>>, vector<16xi32>,
    tpu.vector_store_idx %arg7[%get3A_37], %broadcast_in_dim3A_16 {add = true} : memref<64xf32, #tpu.memory_space<vmem>>[vector<16xi32>], vector<16xf32>,
    %get3A_38 = arith.constant 176 : index
    %get3A_39 = tpu.vector_load %arg6[%get3A_38] {strides = array<i32>} : memref<2048xi32, #tpu.memory_space<vmem>>, vector<16xi32>,
    tpu.vector_store_idx %arg7[%get3A_39], %broadcast_in_dim3A_16 {add = true} : memref<64xf32, #tpu.memory_space<vmem>>[vector<16xi32>], vector<16xf32>,
    %get3A_40 = arith.constant 192 : index
    %get3A_41 = tpu.vector_load %arg6[%get3A_40] {strides = array<i32>} : memref<2048xi32, #tpu.memory_space<vmem>>, vector<16xi32>,
    tpu.vector_store_idx %arg7[%get3A_41], %broadcast_in_dim3A_16 {add = true} : memref<64xf32, #tpu.memory_space<vmem>>[vector<16xi32>], vector<16xf32>,
    %get3A_42 = arith.constant 208 : index
    %get3A_43 = tpu.vector_load %arg6[%get3A_42] {strides = array<i32>} : memref<2048xi32, #tpu.memory_space<vmem>>, vector<16xi32>,
    tpu.vector_store_idx %arg7[%get3A_43], %broadcast_in_dim3A_16 {add = true} : memref<64xf32, #tpu.memory_space<vmem>>[vector<16xi32>], vector<16xf32>,
    %get3A_44 = arith.constant 224 : index
    %get3A_45 = tpu.vector_load %arg6[%get3A_44] {strides = array<i32>} : memref<2048xi32, #tpu.memory_space<vmem>>, vector<16xi32>,
    tpu.vector_store_idx %arg7[%get3A_45], %broadcast_in_dim3A_16 {add = true} : memref<64xf32, #tpu.memory_space<vmem>>[vector<16xi32>], vector<16xf32>,
    %get3A_46 = arith.constant 240 : index
    %get3A_47 = tpu.vector_load %arg6[%get3A_46] {strides = array<i32>} : memref<2048xi32, #tpu.memory_space<vmem>>, vector<16xi32>,
    tpu.vector_store_idx %arg7[%get3A_47], %broadcast_in_dim3A_16 {add = true} : memref<64xf32, #tpu.memory_space<vmem>>[vector<16xi32>], vector<16xf32>,
    %get3A_48 = arith.constant 256 : index
    %get3A_49 = tpu.vector_load %arg6[%get3A_48] {strides = array<i32>} : memref<2048xi32, #tpu.memory_space<vmem>>, vector<16xi32>,
    tpu.vector_store_idx %arg7[%get3A_49], %broadcast_in_dim3A_16 {add = true} : memref<64xf32, #tpu.memory_space<vmem>>[vector<16xi32>], vector<16xf32>,
    %get3A_50 = arith.constant 272 : index
    %get3A_51 = tpu.vector_load %arg6[%get3A_50] {strides = array<i32>} : memref<2048xi32, #tpu.memory_space<vmem>>, vector<16xi32>,
    tpu.vector_store_idx %arg7[%get3A_51], %broadcast_in_dim3A_16 {add = true} : memref<64xf32, #tpu.memory_space<vmem>>[vector<16xi32>], vector<16xf32>,
    %get3A_52 = arith.constant 288 : index
    %get3A_53 = tpu.vector_load %arg6[%get3A_52] {strides = array<i32>} : memref<2048xi32, #tpu.memory_space<vmem>>, vector<16xi32>,
    tpu.vector_store_idx %arg7[%get3A_53], %broadcast_in_dim3A_16 {add = true} : memref<64xf32, #tpu.memory_space<vmem>>[vector<16xi32>], vector<16xf32>,
    %get3A_54 = arith.constant 304 : index
    %get3A_55 = tpu.vector_load %arg6[%get3A_54] {strides = array<i32>} : memref<2048xi32, #tpu.memory_space<vmem>>, vector<16xi32>,
    tpu.vector_store_idx %arg7[%get3A_55], %broadcast_in_dim3A_16 {add = true} : memref<64xf32, #tpu.memory_space<vmem>>[vector<16xi32>], vector<16xf32>,
    %get3A_56 = arith.constant 320 : index
    %get3A_57 = tpu.vector_load %arg6[%get3A_56] {strides = array<i32>} : memref<2048xi32, #tpu.memory_space<vmem>>, vector<16xi32>,
    tpu.vector_store_idx %arg7[%get3A_57], %broadcast_in_dim3A_16 {add = true} : memref<64xf32, #tpu.memory_space<vmem>>[vector<16xi32>], vector<16xf32>,
    %get3A_58 = arith.constant 336 : index
    %get3A_59 = tpu.vector_load %arg6[%get3A_58] {strides = array<i32>} : memref<2048xi32, #tpu.memory_space<vmem>>, vector<16xi32>,
    tpu.vector_store_idx %arg7[%get3A_59], %broadcast_in_dim3A_16 {add = true} : memref<64xf32, #tpu.memory_space<vmem>>[vector<16xi32>], vector<16xf32>,
    %get3A_60 = arith.constant 352 : index
    %get3A_61 = tpu.vector_load %arg6[%get3A_60] {strides = array<i32>} : memref<2048xi32, #tpu.memory_space<vmem>>, vector<16xi32>,
    tpu.vector_store_idx %arg7[%get3A_61], %broadcast_in_dim3A_16 {add = true} : memref<64xf32, #tpu.memory_space<vmem>>[vector<16xi32>], vector<16xf32>,
    %get3A_62 = arith.constant 368 : index
    %get3A_63 = tpu.vector_load %arg6[%get3A_62] {strides = array<i32>} : memref<2048xi32, #tpu.memory_space<vmem>>, vector<16xi32>,
    tpu.vector_store_idx %arg7[%get3A_63], %broadcast_in_dim3A_16 {add = true} : memref<64xf32, #tpu.memory_space<vmem>>[vector<16xi32>], vector<16xf32>,
    %get3A_64 = arith.constant 384 : index
    %get3A_65 = tpu.vector_load %arg6[%get3A_64] {strides = array<i32>} : memref<2048xi32, #tpu.memory_space<vmem>>, vector<16xi32>,
    tpu.vector_store_idx %arg7[%get3A_65], %broadcast_in_dim3A_16 {add = true} : memref<64xf32, #tpu.memory_space<vmem>>[vector<16xi32>], vector<16xf32>,
    %get3A_66 = arith.constant 400 : index
    %get3A_67 = tpu.vector_load %arg6[%get3A_66] {strides = array<i32>} : memref<2048xi32, #tpu.memory_space<vmem>>, vector<16xi32>,
    tpu.vector_store_idx %arg7[%get3A_67], %broadcast_in_dim3A_16 {add = true} : memref<64xf32, #tpu.memory_space<vmem>>[vector<16xi32>], vector<16xf32>,
    %get3A_68 = arith.constant 416 : index
    %get3A_69 = tpu.vector_load %arg6[%get3A_68] {strides = array<i32>} : memref<2048xi32, #tpu.memory_space<vmem>>, vector<16xi32>,
    tpu.vector_store_idx %arg7[%get3A_69], %broadcast_in_dim3A_16 {add = true} : memref<64xf32, #tpu.memory_space<vmem>>[vector<16xi32>], vector<16xf32>,
    %get3A_70 = arith.constant 432 : index
    %get3A_71 = tpu.vector_load %arg6[%get3A_70] {strides = array<i32>} : memref<2048xi32, #tpu.memory_space<vmem>>, vector<16xi32>,
    tpu.vector_store_idx %arg7[%get3A_71], %broadcast_in_dim3A_16 {add = true} : memref<64xf32, #tpu.memory_space<vmem>>[vector<16xi32>], vector<16xf32>,
    %get3A_72 = arith.constant 448 : index
    %get3A_73 = tpu.vector_load %arg6[%get3A_72] {strides = array<i32>} : memref<2048xi32, #tpu.memory_space<vmem>>, vector<16xi32>,
    tpu.vector_store_idx %arg7[%get3A_73], %broadcast_in_dim3A_16 {add = true} : memref<64xf32, #tpu.memory_space<vmem>>[vector<16xi32>], vector<16xf32>,
    %get3A_74 = arith.constant 464 : index
    %get3A_75 = tpu.vector_load %arg6[%get3A_74] {strides = array<i32>} : memref<2048xi32, #tpu.memory_space<vmem>>, vector<16xi32>,
    tpu.vector_store_idx %arg7[%get3A_75], %broadcast_in_dim3A_16 {add = true} : memref<64xf32, #tpu.memory_space<vmem>>[vector<16xi32>], vector<16xf32>,
    %get3A_76 = arith.constant 480 : index
    %get3A_77 = tpu.vector_load %arg6[%get3A_76] {strides = array<i32>} : memref<2048xi32, #tpu.memory_space<vmem>>, vector<16xi32>,
    tpu.vector_store_idx %arg7[%get3A_77], %broadcast_in_dim3A_16 {add = true} : memref<64xf32, #tpu.memory_space<vmem>>[vector<16xi32>], vector<16xf32>,
    %get3A_78 = arith.constant 496 : index
    %get3A_79 = tpu.vector_load %arg6[%get3A_78] {strides = array<i32>} : memref<2048xi32, #tpu.memory_space<vmem>>, vector<16xi32>,
    tpu.vector_store_idx %arg7[%get3A_79], %broadcast_in_dim3A_16 {add = true} : memref<64xf32, #tpu.memory_space<vmem>>[vector<16xi32>], vector<16xf32>,
    %get3A_80 = arith.constant 512 : index
    %get3A_81 = tpu.vector_load %arg6[%get3A_80] {strides = array<i32>} : memref<2048xi32, #tpu.memory_space<vmem>>, vector<16xi32>,
    tpu.vector_store_idx %arg7[%get3A_81], %broadcast_in_dim3A_16 {add = true} : memref<64xf32, #tpu.memory_space<vmem>>[vector<16xi32>], vector<16xf32>,
    %get3A_82 = arith.constant 528 : index
    %get3A_83 = tpu.vector_load %arg6[%get3A_82] {strides = array<i32>} : memref<2048xi32, #tpu.memory_space<vmem>>, vector<16xi32>,
    tpu.vector_store_idx %arg7[%get3A_83], %broadcast_in_dim3A_16 {add = true} : memref<64xf32, #tpu.memory_space<vmem>>[vector<16xi32>], vector<16xf32>,
    %get3A_84 = arith.constant 544 : index
    %get3A_85 = tpu.vector_load %arg6[%get3A_84] {strides = array<i32>} : memref<2048xi32, #tpu.memory_space<vmem>>, vector<16xi32>,
    tpu.vector_store_idx %arg7[%get3A_85], %broadcast_in_dim3A_16 {add = true} : memref<64xf32, #tpu.memory_space<vmem>>[vector<16xi32>], vector<16xf32>,
    %get3A_86 = arith.constant 560 : index
    %get3A_87 = tpu.vector_load %arg6[%get3A_86] {strides = array<i32>} : memref<2048xi32, #tpu.memory_space<vmem>>, vector<16xi32>,
    tpu.vector_store_idx %arg7[%get3A_87], %broadcast_in_dim3A_16 {add = true} : memref<64xf32, #tpu.memory_space<vmem>>[vector<16xi32>], vector<16xf32>,
    %get3A_88 = arith.constant 576 : index
    %get3A_89 = tpu.vector_load %arg6[%get3A_88] {strides = array<i32>} : memref<2048xi32, #tpu.memory_space<vmem>>, vector<16xi32>,
    tpu.vector_store_idx %arg7[%get3A_89], %broadcast_in_dim3A_16 {add = true} : memref<64xf32, #tpu.memory_space<vmem>>[vector<16xi32>], vector<16xf32>,
    %get3A_90 = arith.constant 592 : index
    %get3A_91 = tpu.vector_load %arg6[%get3A_90] {strides = array<i32>} : memref<2048xi32, #tpu.memory_space<vmem>>, vector<16xi32>,
    tpu.vector_store_idx %arg7[%get3A_91], %broadcast_in_dim3A_16 {add = true} : memref<64xf32, #tpu.memory_space<vmem>>[vector<16xi32>], vector<16xf32>,
    %get3A_92 = arith.constant 608 : index
    %get3A_93 = tpu.vector_load %arg6[%get3A_92] {strides = array<i32>} : memref<2048xi32, #tpu.memory_space<vmem>>, vector<16xi32>,
    tpu.vector_store_idx %arg7[%get3A_93], %broadcast_in_dim3A_16 {add = true} : memref<64xf32, #tpu.memory_space<vmem>>[vector<16xi32>], vector<16xf32>,
    %get3A_94 = arith.constant 624 : index
    %get3A_95 = tpu.vector_load %arg6[%get3A_94] {strides = array<i32>} : memref<2048xi32, #tpu.memory_space<vmem>>, vector<16xi32>,
    tpu.vector_store_idx %arg7[%get3A_95], %broadcast_in_dim3A_16 {add = true} : memref<64xf32, #tpu.memory_space<vmem>>[vector<16xi32>], vector<16xf32>,
    %get3A_96 = arith.constant 640 : index
    %get3A_97 = tpu.vector_load %arg6[%get3A_96] {strides = array<i32>} : memref<2048xi32, #tpu.memory_space<vmem>>, vector<16xi32>,
    tpu.vector_store_idx %arg7[%get3A_97], %broadcast_in_dim3A_16 {add = true} : memref<64xf32, #tpu.memory_space<vmem>>[vector<16xi32>], vector<16xf32>,
    %get3A_98 = arith.constant 656 : index
    %get3A_99 = tpu.vector_load %arg6[%get3A_98] {strides = array<i32>} : memref<2048xi32, #tpu.memory_space<vmem>>, vector<16xi32>,
    tpu.vector_store_idx %arg7[%get3A_99], %broadcast_in_dim3A_16 {add = true} : memref<64xf32, #tpu.memory_space<vmem>>[vector<16xi32>], vector<16xf32>,
    %get3A_100 = arith.constant 672 : index
    %get3A_101 = tpu.vector_load %arg6[%get3A_100] {strides = array<i32>} : memref<2048xi32, #tpu.memory_space<vmem>>, vector<16xi32>,
    tpu.vector_store_idx %arg7[%get3A_101], %broadcast_in_dim3A_16 {add = true} : memref<64xf32, #tpu.memory_space<vmem>>[vector<16xi32>], vector<16xf32>,
    %get3A_102 = arith.constant 688 : index
    %get3A_103 = tpu.vector_load %arg6[%get3A_102] {strides = array<i32>} : memref<2048xi32, #tpu.memory_space<vmem>>, vector<16xi32>,
    tpu.vector_store_idx %arg7[%get3A_103], %broadcast_in_dim3A_16 {add = true} : memref<64xf32, #tpu.memory_space<vmem>>[vector<16xi32>], vector<16xf32>,
    %get3A_104 = arith.constant 704 : index
    %get3A_105 = tpu.vector_load %arg6[%get3A_104] {strides = array<i32>} : memref<2048xi32, #tpu.memory_space<vmem>>, vector<16xi32>,
    tpu.vector_store_idx %arg7[%get3A_105], %broadcast_in_dim3A_16 {add = true} : memref<64xf32, #tpu.memory_space<vmem>>[vector<16xi32>], vector<16xf32>,
    %get3A_106 = arith.constant 720 : index
    %get3A_107 = tpu.vector_load %arg6[%get3A_106] {strides = array<i32>} : memref<2048xi32, #tpu.memory_space<vmem>>, vector<16xi32>,
    tpu.vector_store_idx %arg7[%get3A_107], %broadcast_in_dim3A_16 {add = true} : memref<64xf32, #tpu.memory_space<vmem>>[vector<16xi32>], vector<16xf32>,
    %get3A_108 = arith.constant 736 : index
    %get3A_109 = tpu.vector_load %arg6[%get3A_108] {strides = array<i32>} : memref<2048xi32, #tpu.memory_space<vmem>>, vector<16xi32>,
    tpu.vector_store_idx %arg7[%get3A_109], %broadcast_in_dim3A_16 {add = true} : memref<64xf32, #tpu.memory_space<vmem>>[vector<16xi32>], vector<16xf32>,
    %get3A_110 = arith.constant 752 : index
    %get3A_111 = tpu.vector_load %arg6[%get3A_110] {strides = array<i32>} : memref<2048xi32, #tpu.memory_space<vmem>>, vector<16xi32>,
    tpu.vector_store_idx %arg7[%get3A_111], %broadcast_in_dim3A_16 {add = true} : memref<64xf32, #tpu.memory_space<vmem>>[vector<16xi32>], vector<16xf32>,
    %get3A_112 = arith.constant 768 : index
    %get3A_113 = tpu.vector_load %arg6[%get3A_112] {strides = array<i32>} : memref<2048xi32, #tpu.memory_space<vmem>>, vector<16xi32>,
    tpu.vector_store_idx %arg7[%get3A_113], %broadcast_in_dim3A_16 {add = true} : memref<64xf32, #tpu.memory_space<vmem>>[vector<16xi32>], vector<16xf32>,
    %get3A_114 = arith.constant 784 : index
    %get3A_115 = tpu.vector_load %arg6[%get3A_114] {strides = array<i32>} : memref<2048xi32, #tpu.memory_space<vmem>>, vector<16xi32>,
    tpu.vector_store_idx %arg7[%get3A_115], %broadcast_in_dim3A_16 {add = true} : memref<64xf32, #tpu.memory_space<vmem>>[vector<16xi32>], vector<16xf32>,
    %get3A_116 = arith.constant 800 : index
    %get3A_117 = tpu.vector_load %arg6[%get3A_116] {strides = array<i32>} : memref<2048xi32, #tpu.memory_space<vmem>>, vector<16xi32>,
    tpu.vector_store_idx %arg7[%get3A_117], %broadcast_in_dim3A_16 {add = true} : memref<64xf32, #tpu.memory_space<vmem>>[vector<16xi32>], vector<16xf32>,
    %get3A_118 = arith.constant 816 : index
    %get3A_119 = tpu.vector_load %arg6[%get3A_118] {strides = array<i32>} : memref<2048xi32, #tpu.memory_space<vmem>>, vector<16xi32>,
    tpu.vector_store_idx %arg7[%get3A_119], %broadcast_in_dim3A_16 {add = true} : memref<64xf32, #tpu.memory_space<vmem>>[vector<16xi32>], vector<16xf32>,
    %get3A_120 = arith.constant 832 : index
    %get3A_121 = tpu.vector_load %arg6[%get3A_120] {strides = array<i32>} : memref<2048xi32, #tpu.memory_space<vmem>>, vector<16xi32>,
    tpu.vector_store_idx %arg7[%get3A_121], %broadcast_in_dim3A_16 {add = true} : memref<64xf32, #tpu.memory_space<vmem>>[vector<16xi32>], vector<16xf32>,
    %get3A_122 = arith.constant 848 : index
    %get3A_123 = tpu.vector_load %arg6[%get3A_122] {strides = array<i32>} : memref<2048xi32, #tpu.memory_space<vmem>>, vector<16xi32>,
    tpu.vector_store_idx %arg7[%get3A_123], %broadcast_in_dim3A_16 {add = true} : memref<64xf32, #tpu.memory_space<vmem>>[vector<16xi32>], vector<16xf32>,
    %get3A_124 = arith.constant 864 : index
    %get3A_125 = tpu.vector_load %arg6[%get3A_124] {strides = array<i32>} : memref<2048xi32, #tpu.memory_space<vmem>>, vector<16xi32>,
    tpu.vector_store_idx %arg7[%get3A_125], %broadcast_in_dim3A_16 {add = true} : memref<64xf32, #tpu.memory_space<vmem>>[vector<16xi32>], vector<16xf32>,
    %get3A_126 = arith.constant 880 : index
    %get3A_127 = tpu.vector_load %arg6[%get3A_126] {strides = array<i32>} : memref<2048xi32, #tpu.memory_space<vmem>>, vector<16xi32>,
    tpu.vector_store_idx %arg7[%get3A_127], %broadcast_in_dim3A_16 {add = true} : memref<64xf32, #tpu.memory_space<vmem>>[vector<16xi32>], vector<16xf32>,
    %get3A_128 = arith.constant 896 : index
    %get3A_129 = tpu.vector_load %arg6[%get3A_128] {strides = array<i32>} : memref<2048xi32, #tpu.memory_space<vmem>>, vector<16xi32>,
    tpu.vector_store_idx %arg7[%get3A_129], %broadcast_in_dim3A_16 {add = true} : memref<64xf32, #tpu.memory_space<vmem>>[vector<16xi32>], vector<16xf32>,
    %get3A_130 = arith.constant 912 : index
    %get3A_131 = tpu.vector_load %arg6[%get3A_130] {strides = array<i32>} : memref<2048xi32, #tpu.memory_space<vmem>>, vector<16xi32>,
    tpu.vector_store_idx %arg7[%get3A_131], %broadcast_in_dim3A_16 {add = true} : memref<64xf32, #tpu.memory_space<vmem>>[vector<16xi32>], vector<16xf32>,
    %get3A_132 = arith.constant 928 : index
    %get3A_133 = tpu.vector_load %arg6[%get3A_132] {strides = array<i32>} : memref<2048xi32, #tpu.memory_space<vmem>>, vector<16xi32>,
    tpu.vector_store_idx %arg7[%get3A_133], %broadcast_in_dim3A_16 {add = true} : memref<64xf32, #tpu.memory_space<vmem>>[vector<16xi32>], vector<16xf32>,
    %get3A_134 = arith.constant 944 : index
    %get3A_135 = tpu.vector_load %arg6[%get3A_134] {strides = array<i32>} : memref<2048xi32, #tpu.memory_space<vmem>>, vector<16xi32>,
    tpu.vector_store_idx %arg7[%get3A_135], %broadcast_in_dim3A_16 {add = true} : memref<64xf32, #tpu.memory_space<vmem>>[vector<16xi32>], vector<16xf32>,
    %get3A_136 = arith.constant 960 : index
    %get3A_137 = tpu.vector_load %arg6[%get3A_136] {strides = array<i32>} : memref<2048xi32, #tpu.memory_space<vmem>>, vector<16xi32>,
    tpu.vector_store_idx %arg7[%get3A_137], %broadcast_in_dim3A_16 {add = true} : memref<64xf32, #tpu.memory_space<vmem>>[vector<16xi32>], vector<16xf32>,
    %get3A_138 = arith.constant 976 : index
    %get3A_139 = tpu.vector_load %arg6[%get3A_138] {strides = array<i32>} : memref<2048xi32, #tpu.memory_space<vmem>>, vector<16xi32>,
    tpu.vector_store_idx %arg7[%get3A_139], %broadcast_in_dim3A_16 {add = true} : memref<64xf32, #tpu.memory_space<vmem>>[vector<16xi32>], vector<16xf32>,
    %get3A_140 = arith.constant 992 : index
    %get3A_141 = tpu.vector_load %arg6[%get3A_140] {strides = array<i32>} : memref<2048xi32, #tpu.memory_space<vmem>>, vector<16xi32>,
    tpu.vector_store_idx %arg7[%get3A_141], %broadcast_in_dim3A_16 {add = true} : memref<64xf32, #tpu.memory_space<vmem>>[vector<16xi32>], vector<16xf32>,
    %get3A_142 = arith.constant 1008 : index
    %get3A_143 = tpu.vector_load %arg6[%get3A_142] {strides = array<i32>} : memref<2048xi32, #tpu.memory_space<vmem>>, vector<16xi32>,
    tpu.vector_store_idx %arg7[%get3A_143], %broadcast_in_dim3A_16 {add = true} : memref<64xf32, #tpu.memory_space<vmem>>[vector<16xi32>], vector<16xf32>,
    %get3A_144 = arith.constant 1024 : index
    %get3A_145 = tpu.vector_load %arg6[%get3A_144] {strides = array<i32>} : memref<2048xi32, #tpu.memory_space<vmem>>, vector<16xi32>,
    tpu.vector_store_idx %arg7[%get3A_145], %broadcast_in_dim3A_16 {add = true} : memref<64xf32, #tpu.memory_space<vmem>>[vector<16xi32>], vector<16xf32>,
    %get3A_146 = arith.constant 1040 : index
    %get3A_147 = tpu.vector_load %arg6[%get3A_146] {strides = array<i32>} : memref<2048xi32, #tpu.memory_space<vmem>>, vector<16xi32>,
    tpu.vector_store_idx %arg7[%get3A_147], %broadcast_in_dim3A_16 {add = true} : memref<64xf32, #tpu.memory_space<vmem>>[vector<16xi32>], vector<16xf32>,
    %get3A_148 = arith.constant 1056 : index
    %get3A_149 = tpu.vector_load %arg6[%get3A_148] {strides = array<i32>} : memref<2048xi32, #tpu.memory_space<vmem>>, vector<16xi32>,
    tpu.vector_store_idx %arg7[%get3A_149], %broadcast_in_dim3A_16 {add = true} : memref<64xf32, #tpu.memory_space<vmem>>[vector<16xi32>], vector<16xf32>,
    %get3A_150 = arith.constant 1072 : index
    %get3A_151 = tpu.vector_load %arg6[%get3A_150] {strides = array<i32>} : memref<2048xi32, #tpu.memory_space<vmem>>, vector<16xi32>,
    tpu.vector_store_idx %arg7[%get3A_151], %broadcast_in_dim3A_16 {add = true} : memref<64xf32, #tpu.memory_space<vmem>>[vector<16xi32>], vector<16xf32>,
    %get3A_152 = arith.constant 1088 : index
    %get3A_153 = tpu.vector_load %arg6[%get3A_152] {strides = array<i32>} : memref<2048xi32, #tpu.memory_space<vmem>>, vector<16xi32>,
    tpu.vector_store_idx %arg7[%get3A_153], %broadcast_in_dim3A_16 {add = true} : memref<64xf32, #tpu.memory_space<vmem>>[vector<16xi32>], vector<16xf32>,
    %get3A_154 = arith.constant 1104 : index
    %get3A_155 = tpu.vector_load %arg6[%get3A_154] {strides = array<i32>} : memref<2048xi32, #tpu.memory_space<vmem>>, vector<16xi32>,
    tpu.vector_store_idx %arg7[%get3A_155], %broadcast_in_dim3A_16 {add = true} : memref<64xf32, #tpu.memory_space<vmem>>[vector<16xi32>], vector<16xf32>,
    %get3A_156 = arith.constant 1120 : index
    %get3A_157 = tpu.vector_load %arg6[%get3A_156] {strides = array<i32>} : memref<2048xi32, #tpu.memory_space<vmem>>, vector<16xi32>,
    tpu.vector_store_idx %arg7[%get3A_157], %broadcast_in_dim3A_16 {add = true} : memref<64xf32, #tpu.memory_space<vmem>>[vector<16xi32>], vector<16xf32>,
    %get3A_158 = arith.constant 1136 : index
    %get3A_159 = tpu.vector_load %arg6[%get3A_158] {strides = array<i32>} : memref<2048xi32, #tpu.memory_space<vmem>>, vector<16xi32>,
    tpu.vector_store_idx %arg7[%get3A_159], %broadcast_in_dim3A_16 {add = true} : memref<64xf32, #tpu.memory_space<vmem>>[vector<16xi32>], vector<16xf32>,
    %get3A_160 = arith.constant 1152 : index
    %get3A_161 = tpu.vector_load %arg6[%get3A_160] {strides = array<i32>} : memref<2048xi32, #tpu.memory_space<vmem>>, vector<16xi32>,
    tpu.vector_store_idx %arg7[%get3A_161], %broadcast_in_dim3A_16 {add = true} : memref<64xf32, #tpu.memory_space<vmem>>[vector<16xi32>], vector<16xf32>,
    %get3A_162 = arith.constant 1168 : index
    %get3A_163 = tpu.vector_load %arg6[%get3A_162] {strides = array<i32>} : memref<2048xi32, #tpu.memory_space<vmem>>, vector<16xi32>,
    tpu.vector_store_idx %arg7[%get3A_163], %broadcast_in_dim3A_16 {add = true} : memref<64xf32, #tpu.memory_space<vmem>>[vector<16xi32>], vector<16xf32>,
    %get3A_164 = arith.constant 1184 : index
    %get3A_165 = tpu.vector_load %arg6[%get3A_164] {strides = array<i32>} : memref<2048xi32, #tpu.memory_space<vmem>>, vector<16xi32>,
    tpu.vector_store_idx %arg7[%get3A_165], %broadcast_in_dim3A_16 {add = true} : memref<64xf32, #tpu.memory_space<vmem>>[vector<16xi32>], vector<16xf32>,
    %get3A_166 = arith.constant 1200 : index
    %get3A_167 = tpu.vector_load %arg6[%get3A_166] {strides = array<i32>} : memref<2048xi32, #tpu.memory_space<vmem>>, vector<16xi32>,
    tpu.vector_store_idx %arg7[%get3A_167], %broadcast_in_dim3A_16 {add = true} : memref<64xf32, #tpu.memory_space<vmem>>[vector<16xi32>], vector<16xf32>,
    %get3A_168 = arith.constant 1216 : index
    %get3A_169 = tpu.vector_load %arg6[%get3A_168] {strides = array<i32>} : memref<2048xi32, #tpu.memory_space<vmem>>, vector<16xi32>,
    tpu.vector_store_idx %arg7[%get3A_169], %broadcast_in_dim3A_16 {add = true} : memref<64xf32, #tpu.memory_space<vmem>>[vector<16xi32>], vector<16xf32>,
    %get3A_170 = arith.constant 1232 : index
    %get3A_171 = tpu.vector_load %arg6[%get3A_170] {strides = array<i32>} : memref<2048xi32, #tpu.memory_space<vmem>>, vector<16xi32>,
    tpu.vector_store_idx %arg7[%get3A_171], %broadcast_in_dim3A_16 {add = true} : memref<64xf32, #tpu.memory_space<vmem>>[vector<16xi32>], vector<16xf32>,
    %get3A_172 = arith.constant 1248 : index
    %get3A_173 = tpu.vector_load %arg6[%get3A_172] {strides = array<i32>} : memref<2048xi32, #tpu.memory_space<vmem>>, vector<16xi32>,
    tpu.vector_store_idx %arg7[%get3A_173], %broadcast_in_dim3A_16 {add = true} : memref<64xf32, #tpu.memory_space<vmem>>[vector<16xi32>], vector<16xf32>,
    %get3A_174 = arith.constant 1264 : index
    %get3A_175 = tpu.vector_load %arg6[%get3A_174] {strides = array<i32>} : memref<2048xi32, #tpu.memory_space<vmem>>, vector<16xi32>,
    tpu.vector_store_idx %arg7[%get3A_175], %broadcast_in_dim3A_16 {add = true} : memref<64xf32, #tpu.memory_space<vmem>>[vector<16xi32>], vector<16xf32>,
    %get3A_176 = arith.constant 1280 : index
    %get3A_177 = tpu.vector_load %arg6[%get3A_176] {strides = array<i32>} : memref<2048xi32, #tpu.memory_space<vmem>>, vector<16xi32>,
    tpu.vector_store_idx %arg7[%get3A_177], %broadcast_in_dim3A_16 {add = true} : memref<64xf32, #tpu.memory_space<vmem>>[vector<16xi32>], vector<16xf32>,
    %get3A_178 = arith.constant 1296 : index
    %get3A_179 = tpu.vector_load %arg6[%get3A_178] {strides = array<i32>} : memref<2048xi32, #tpu.memory_space<vmem>>, vector<16xi32>,
    tpu.vector_store_idx %arg7[%get3A_179], %broadcast_in_dim3A_16 {add = true} : memref<64xf32, #tpu.memory_space<vmem>>[vector<16xi32>], vector<16xf32>,
    %get3A_180 = arith.constant 1312 : index
    %get3A_181 = tpu.vector_load %arg6[%get3A_180] {strides = array<i32>} : memref<2048xi32, #tpu.memory_space<vmem>>, vector<16xi32>,
    tpu.vector_store_idx %arg7[%get3A_181], %broadcast_in_dim3A_16 {add = true} : memref<64xf32, #tpu.memory_space<vmem>>[vector<16xi32>], vector<16xf32>,
    %get3A_182 = arith.constant 1328 : index
    %get3A_183 = tpu.vector_load %arg6[%get3A_182] {strides = array<i32>} : memref<2048xi32, #tpu.memory_space<vmem>>, vector<16xi32>,
    tpu.vector_store_idx %arg7[%get3A_183], %broadcast_in_dim3A_16 {add = true} : memref<64xf32, #tpu.memory_space<vmem>>[vector<16xi32>], vector<16xf32>,
    %get3A_184 = arith.constant 1344 : index
    %get3A_185 = tpu.vector_load %arg6[%get3A_184] {strides = array<i32>} : memref<2048xi32, #tpu.memory_space<vmem>>, vector<16xi32>,
    tpu.vector_store_idx %arg7[%get3A_185], %broadcast_in_dim3A_16 {add = true} : memref<64xf32, #tpu.memory_space<vmem>>[vector<16xi32>], vector<16xf32>,
    %get3A_186 = arith.constant 1360 : index
    %get3A_187 = tpu.vector_load %arg6[%get3A_186] {strides = array<i32>} : memref<2048xi32, #tpu.memory_space<vmem>>, vector<16xi32>,
    tpu.vector_store_idx %arg7[%get3A_187], %broadcast_in_dim3A_16 {add = true} : memref<64xf32, #tpu.memory_space<vmem>>[vector<16xi32>], vector<16xf32>,
    %get3A_188 = arith.constant 1376 : index
    %get3A_189 = tpu.vector_load %arg6[%get3A_188] {strides = array<i32>} : memref<2048xi32, #tpu.memory_space<vmem>>, vector<16xi32>,
    tpu.vector_store_idx %arg7[%get3A_189], %broadcast_in_dim3A_16 {add = true} : memref<64xf32, #tpu.memory_space<vmem>>[vector<16xi32>], vector<16xf32>,
    %get3A_190 = arith.constant 1392 : index
    %get3A_191 = tpu.vector_load %arg6[%get3A_190] {strides = array<i32>} : memref<2048xi32, #tpu.memory_space<vmem>>, vector<16xi32>,
    tpu.vector_store_idx %arg7[%get3A_191], %broadcast_in_dim3A_16 {add = true} : memref<64xf32, #tpu.memory_space<vmem>>[vector<16xi32>], vector<16xf32>,
    %get3A_192 = arith.constant 1408 : index
    %get3A_193 = tpu.vector_load %arg6[%get3A_192] {strides = array<i32>} : memref<2048xi32, #tpu.memory_space<vmem>>, vector<16xi32>,
    tpu.vector_store_idx %arg7[%get3A_193], %broadcast_in_dim3A_16 {add = true} : memref<64xf32, #tpu.memory_space<vmem>>[vector<16xi32>], vector<16xf32>,
    %get3A_194 = arith.constant 1424 : index
    %get3A_195 = tpu.vector_load %arg6[%get3A_194] {strides = array<i32>} : memref<2048xi32, #tpu.memory_space<vmem>>, vector<16xi32>,
    tpu.vector_store_idx %arg7[%get3A_195], %broadcast_in_dim3A_16 {add = true} : memref<64xf32, #tpu.memory_space<vmem>>[vector<16xi32>], vector<16xf32>,
    %get3A_196 = arith.constant 1440 : index
    %get3A_197 = tpu.vector_load %arg6[%get3A_196] {strides = array<i32>} : memref<2048xi32, #tpu.memory_space<vmem>>, vector<16xi32>,
    tpu.vector_store_idx %arg7[%get3A_197], %broadcast_in_dim3A_16 {add = true} : memref<64xf32, #tpu.memory_space<vmem>>[vector<16xi32>], vector<16xf32>,
    %get3A_198 = arith.constant 1456 : index
    %get3A_199 = tpu.vector_load %arg6[%get3A_198] {strides = array<i32>} : memref<2048xi32, #tpu.memory_space<vmem>>, vector<16xi32>,
    tpu.vector_store_idx %arg7[%get3A_199], %broadcast_in_dim3A_16 {add = true} : memref<64xf32, #tpu.memory_space<vmem>>[vector<16xi32>], vector<16xf32>,
    %get3A_200 = arith.constant 1472 : index
    %get3A_201 = tpu.vector_load %arg6[%get3A_200] {strides = array<i32>} : memref<2048xi32, #tpu.memory_space<vmem>>, vector<16xi32>,
    tpu.vector_store_idx %arg7[%get3A_201], %broadcast_in_dim3A_16 {add = true} : memref<64xf32, #tpu.memory_space<vmem>>[vector<16xi32>], vector<16xf32>,
    %get3A_202 = arith.constant 1488 : index
    %get3A_203 = tpu.vector_load %arg6[%get3A_202] {strides = array<i32>} : memref<2048xi32, #tpu.memory_space<vmem>>, vector<16xi32>,
    tpu.vector_store_idx %arg7[%get3A_203], %broadcast_in_dim3A_16 {add = true} : memref<64xf32, #tpu.memory_space<vmem>>[vector<16xi32>], vector<16xf32>,
    %get3A_204 = arith.constant 1504 : index
    %get3A_205 = tpu.vector_load %arg6[%get3A_204] {strides = array<i32>} : memref<2048xi32, #tpu.memory_space<vmem>>, vector<16xi32>,
    tpu.vector_store_idx %arg7[%get3A_205], %broadcast_in_dim3A_16 {add = true} : memref<64xf32, #tpu.memory_space<vmem>>[vector<16xi32>], vector<16xf32>,
    %get3A_206 = arith.constant 1520 : index
    %get3A_207 = tpu.vector_load %arg6[%get3A_206] {strides = array<i32>} : memref<2048xi32, #tpu.memory_space<vmem>>, vector<16xi32>,
    tpu.vector_store_idx %arg7[%get3A_207], %broadcast_in_dim3A_16 {add = true} : memref<64xf32, #tpu.memory_space<vmem>>[vector<16xi32>], vector<16xf32>,
    %get3A_208 = arith.constant 1536 : index
    %get3A_209 = tpu.vector_load %arg6[%get3A_208] {strides = array<i32>} : memref<2048xi32, #tpu.memory_space<vmem>>, vector<16xi32>,
    tpu.vector_store_idx %arg7[%get3A_209], %broadcast_in_dim3A_16 {add = true} : memref<64xf32, #tpu.memory_space<vmem>>[vector<16xi32>], vector<16xf32>,
    %get3A_210 = arith.constant 1552 : index
    %get3A_211 = tpu.vector_load %arg6[%get3A_210] {strides = array<i32>} : memref<2048xi32, #tpu.memory_space<vmem>>, vector<16xi32>,
    tpu.vector_store_idx %arg7[%get3A_211], %broadcast_in_dim3A_16 {add = true} : memref<64xf32, #tpu.memory_space<vmem>>[vector<16xi32>], vector<16xf32>,
    %get3A_212 = arith.constant 1568 : index
    %get3A_213 = tpu.vector_load %arg6[%get3A_212] {strides = array<i32>} : memref<2048xi32, #tpu.memory_space<vmem>>, vector<16xi32>,
    tpu.vector_store_idx %arg7[%get3A_213], %broadcast_in_dim3A_16 {add = true} : memref<64xf32, #tpu.memory_space<vmem>>[vector<16xi32>], vector<16xf32>,
    %get3A_214 = arith.constant 1584 : index
    %get3A_215 = tpu.vector_load %arg6[%get3A_214] {strides = array<i32>} : memref<2048xi32, #tpu.memory_space<vmem>>, vector<16xi32>,
    tpu.vector_store_idx %arg7[%get3A_215], %broadcast_in_dim3A_16 {add = true} : memref<64xf32, #tpu.memory_space<vmem>>[vector<16xi32>], vector<16xf32>,
    %get3A_216 = arith.constant 1600 : index
    %get3A_217 = tpu.vector_load %arg6[%get3A_216] {strides = array<i32>} : memref<2048xi32, #tpu.memory_space<vmem>>, vector<16xi32>,
    tpu.vector_store_idx %arg7[%get3A_217], %broadcast_in_dim3A_16 {add = true} : memref<64xf32, #tpu.memory_space<vmem>>[vector<16xi32>], vector<16xf32>,
    %get3A_218 = arith.constant 1616 : index
    %get3A_219 = tpu.vector_load %arg6[%get3A_218] {strides = array<i32>} : memref<2048xi32, #tpu.memory_space<vmem>>, vector<16xi32>,
    tpu.vector_store_idx %arg7[%get3A_219], %broadcast_in_dim3A_16 {add = true} : memref<64xf32, #tpu.memory_space<vmem>>[vector<16xi32>], vector<16xf32>,
    %get3A_220 = arith.constant 1632 : index
    %get3A_221 = tpu.vector_load %arg6[%get3A_220] {strides = array<i32>} : memref<2048xi32, #tpu.memory_space<vmem>>, vector<16xi32>,
    tpu.vector_store_idx %arg7[%get3A_221], %broadcast_in_dim3A_16 {add = true} : memref<64xf32, #tpu.memory_space<vmem>>[vector<16xi32>], vector<16xf32>,
    %get3A_222 = arith.constant 1648 : index
    %get3A_223 = tpu.vector_load %arg6[%get3A_222] {strides = array<i32>} : memref<2048xi32, #tpu.memory_space<vmem>>, vector<16xi32>,
    tpu.vector_store_idx %arg7[%get3A_223], %broadcast_in_dim3A_16 {add = true} : memref<64xf32, #tpu.memory_space<vmem>>[vector<16xi32>], vector<16xf32>,
    %get3A_224 = arith.constant 1664 : index
    %get3A_225 = tpu.vector_load %arg6[%get3A_224] {strides = array<i32>} : memref<2048xi32, #tpu.memory_space<vmem>>, vector<16xi32>,
    tpu.vector_store_idx %arg7[%get3A_225], %broadcast_in_dim3A_16 {add = true} : memref<64xf32, #tpu.memory_space<vmem>>[vector<16xi32>], vector<16xf32>,
    %get3A_226 = arith.constant 1680 : index
    %get3A_227 = tpu.vector_load %arg6[%get3A_226] {strides = array<i32>} : memref<2048xi32, #tpu.memory_space<vmem>>, vector<16xi32>,
    tpu.vector_store_idx %arg7[%get3A_227], %broadcast_in_dim3A_16 {add = true} : memref<64xf32, #tpu.memory_space<vmem>>[vector<16xi32>], vector<16xf32>,
    %get3A_228 = arith.constant 1696 : index
    %get3A_229 = tpu.vector_load %arg6[%get3A_228] {strides = array<i32>} : memref<2048xi32, #tpu.memory_space<vmem>>, vector<16xi32>,
    tpu.vector_store_idx %arg7[%get3A_229], %broadcast_in_dim3A_16 {add = true} : memref<64xf32, #tpu.memory_space<vmem>>[vector<16xi32>], vector<16xf32>,
    %get3A_230 = arith.constant 1712 : index
    %get3A_231 = tpu.vector_load %arg6[%get3A_230] {strides = array<i32>} : memref<2048xi32, #tpu.memory_space<vmem>>, vector<16xi32>,
    tpu.vector_store_idx %arg7[%get3A_231], %broadcast_in_dim3A_16 {add = true} : memref<64xf32, #tpu.memory_space<vmem>>[vector<16xi32>], vector<16xf32>,
    %get3A_232 = arith.constant 1728 : index
    %get3A_233 = tpu.vector_load %arg6[%get3A_232] {strides = array<i32>} : memref<2048xi32, #tpu.memory_space<vmem>>, vector<16xi32>,
    tpu.vector_store_idx %arg7[%get3A_233], %broadcast_in_dim3A_16 {add = true} : memref<64xf32, #tpu.memory_space<vmem>>[vector<16xi32>], vector<16xf32>,
    %get3A_234 = arith.constant 1744 : index
    %get3A_235 = tpu.vector_load %arg6[%get3A_234] {strides = array<i32>} : memref<2048xi32, #tpu.memory_space<vmem>>, vector<16xi32>,
    tpu.vector_store_idx %arg7[%get3A_235], %broadcast_in_dim3A_16 {add = true} : memref<64xf32, #tpu.memory_space<vmem>>[vector<16xi32>], vector<16xf32>,
    %get3A_236 = arith.constant 1760 : index
    %get3A_237 = tpu.vector_load %arg6[%get3A_236] {strides = array<i32>} : memref<2048xi32, #tpu.memory_space<vmem>>, vector<16xi32>,
    tpu.vector_store_idx %arg7[%get3A_237], %broadcast_in_dim3A_16 {add = true} : memref<64xf32, #tpu.memory_space<vmem>>[vector<16xi32>], vector<16xf32>,
    %get3A_238 = arith.constant 1776 : index
    %get3A_239 = tpu.vector_load %arg6[%get3A_238] {strides = array<i32>} : memref<2048xi32, #tpu.memory_space<vmem>>, vector<16xi32>,
    tpu.vector_store_idx %arg7[%get3A_239], %broadcast_in_dim3A_16 {add = true} : memref<64xf32, #tpu.memory_space<vmem>>[vector<16xi32>], vector<16xf32>,
    %get3A_240 = arith.constant 1792 : index
    %get3A_241 = tpu.vector_load %arg6[%get3A_240] {strides = array<i32>} : memref<2048xi32, #tpu.memory_space<vmem>>, vector<16xi32>,
    tpu.vector_store_idx %arg7[%get3A_241], %broadcast_in_dim3A_16 {add = true} : memref<64xf32, #tpu.memory_space<vmem>>[vector<16xi32>], vector<16xf32>,
    %get3A_242 = arith.constant 1808 : index
    %get3A_243 = tpu.vector_load %arg6[%get3A_242] {strides = array<i32>} : memref<2048xi32, #tpu.memory_space<vmem>>, vector<16xi32>,
    tpu.vector_store_idx %arg7[%get3A_243], %broadcast_in_dim3A_16 {add = true} : memref<64xf32, #tpu.memory_space<vmem>>[vector<16xi32>], vector<16xf32>,
    %get3A_244 = arith.constant 1824 : index
    %get3A_245 = tpu.vector_load %arg6[%get3A_244] {strides = array<i32>} : memref<2048xi32, #tpu.memory_space<vmem>>, vector<16xi32>,
    tpu.vector_store_idx %arg7[%get3A_245], %broadcast_in_dim3A_16 {add = true} : memref<64xf32, #tpu.memory_space<vmem>>[vector<16xi32>], vector<16xf32>,
    %get3A_246 = arith.constant 1840 : index
    %get3A_247 = tpu.vector_load %arg6[%get3A_246] {strides = array<i32>} : memref<2048xi32, #tpu.memory_space<vmem>>, vector<16xi32>,
    tpu.vector_store_idx %arg7[%get3A_247], %broadcast_in_dim3A_16 {add = true} : memref<64xf32, #tpu.memory_space<vmem>>[vector<16xi32>], vector<16xf32>,
    %get3A_248 = arith.constant 1856 : index
    %get3A_249 = tpu.vector_load %arg6[%get3A_248] {strides = array<i32>} : memref<2048xi32, #tpu.memory_space<vmem>>, vector<16xi32>,
    tpu.vector_store_idx %arg7[%get3A_249], %broadcast_in_dim3A_16 {add = true} : memref<64xf32, #tpu.memory_space<vmem>>[vector<16xi32>], vector<16xf32>,
    %get3A_250 = arith.constant 1872 : index
    %get3A_251 = tpu.vector_load %arg6[%get3A_250] {strides = array<i32>} : memref<2048xi32, #tpu.memory_space<vmem>>, vector<16xi32>,
    tpu.vector_store_idx %arg7[%get3A_251], %broadcast_in_dim3A_16 {add = true} : memref<64xf32, #tpu.memory_space<vmem>>[vector<16xi32>], vector<16xf32>,
    %get3A_252 = arith.constant 1888 : index
    %get3A_253 = tpu.vector_load %arg6[%get3A_252] {strides = array<i32>} : memref<2048xi32, #tpu.memory_space<vmem>>, vector<16xi32>,
    tpu.vector_store_idx %arg7[%get3A_253], %broadcast_in_dim3A_16 {add = true} : memref<64xf32, #tpu.memory_space<vmem>>[vector<16xi32>], vector<16xf32>,
    %get3A_254 = arith.constant 1904 : index
    %get3A_255 = tpu.vector_load %arg6[%get3A_254] {strides = array<i32>} : memref<2048xi32, #tpu.memory_space<vmem>>, vector<16xi32>,
    tpu.vector_store_idx %arg7[%get3A_255], %broadcast_in_dim3A_16 {add = true} : memref<64xf32, #tpu.memory_space<vmem>>[vector<16xi32>], vector<16xf32>,
    %get3A_256 = arith.constant 1920 : index
    %get3A_257 = tpu.vector_load %arg6[%get3A_256] {strides = array<i32>} : memref<2048xi32, #tpu.memory_space<vmem>>, vector<16xi32>,
    tpu.vector_store_idx %arg7[%get3A_257], %broadcast_in_dim3A_16 {add = true} : memref<64xf32, #tpu.memory_space<vmem>>[vector<16xi32>], vector<16xf32>,
    %get3A_258 = arith.constant 1936 : index
    %get3A_259 = tpu.vector_load %arg6[%get3A_258] {strides = array<i32>} : memref<2048xi32, #tpu.memory_space<vmem>>, vector<16xi32>,
    tpu.vector_store_idx %arg7[%get3A_259], %broadcast_in_dim3A_16 {add = true} : memref<64xf32, #tpu.memory_space<vmem>>[vector<16xi32>], vector<16xf32>,
    %get3A_260 = arith.constant 1952 : index
    %get3A_261 = tpu.vector_load %arg6[%get3A_260] {strides = array<i32>} : memref<2048xi32, #tpu.memory_space<vmem>>, vector<16xi32>,
    tpu.vector_store_idx %arg7[%get3A_261], %broadcast_in_dim3A_16 {add = true} : memref<64xf32, #tpu.memory_space<vmem>>[vector<16xi32>], vector<16xf32>,
    %get3A_262 = arith.constant 1968 : index
    %get3A_263 = tpu.vector_load %arg6[%get3A_262] {strides = array<i32>} : memref<2048xi32, #tpu.memory_space<vmem>>, vector<16xi32>,
    tpu.vector_store_idx %arg7[%get3A_263], %broadcast_in_dim3A_16 {add = true} : memref<64xf32, #tpu.memory_space<vmem>>[vector<16xi32>], vector<16xf32>,
    %get3A_264 = arith.constant 1984 : index
    %get3A_265 = tpu.vector_load %arg6[%get3A_264] {strides = array<i32>} : memref<2048xi32, #tpu.memory_space<vmem>>, vector<16xi32>,
    tpu.vector_store_idx %arg7[%get3A_265], %broadcast_in_dim3A_16 {add = true} : memref<64xf32, #tpu.memory_space<vmem>>[vector<16xi32>], vector<16xf32>,
    %get3A_266 = arith.constant 2000 : index
    %get3A_267 = tpu.vector_load %arg6[%get3A_266] {strides = array<i32>} : memref<2048xi32, #tpu.memory_space<vmem>>, vector<16xi32>,
    tpu.vector_store_idx %arg7[%get3A_267], %broadcast_in_dim3A_16 {add = true} : memref<64xf32, #tpu.memory_space<vmem>>[vector<16xi32>], vector<16xf32>,
    %get3A_268 = arith.constant 2016 : index
    %get3A_269 = tpu.vector_load %arg6[%get3A_268] {strides = array<i32>} : memref<2048xi32, #tpu.memory_space<vmem>>, vector<16xi32>,
    tpu.vector_store_idx %arg7[%get3A_269], %broadcast_in_dim3A_16 {add = true} : memref<64xf32, #tpu.memory_space<vmem>>[vector<16xi32>], vector<16xf32>,
    %get3A_270 = arith.constant 2032 : index
    %get3A_271 = tpu.vector_load %arg6[%get3A_270] {strides = array<i32>} : memref<2048xi32, #tpu.memory_space<vmem>>, vector<16xi32>,
    tpu.vector_store_idx %arg7[%get3A_271], %broadcast_in_dim3A_16 {add = true} : memref<64xf32, #tpu.memory_space<vmem>>[vector<16xi32>], vector<16xf32>,
    %mul3A_272 = arith.constant 64 : i32
    %mul3A_273 = arith.muli %arg1, %mul3A_272 : i32
    "tpu.region"() ({
      %run_scoped3A = tpu.sem_alloc : memref<!tpu.dma_semaphore, #tpu.memory_space<semaphore_mem>>
      %dma_start3A_282 = tpu.memref_slice %arg12[%mul3A_273] : memref<1024xf32, #tpu.memory_space<vmem_shared>> -> memref<64xf32, #tpu.memory_space<vmem_shared>>
      %dma_start3A_283 = tpu.memref_slice %arg12[%mul3A_273] : memref<1024xf32, #tpu.memory_space<vmem_shared>> -> memref<64xf32, #tpu.memory_space<vmem_shared>>
      tpu.enqueue_dma source(%arg7 : memref<64xf32, #tpu.memory_space<vmem>>) target(%dma_start3A_283 : memref<64xf32, #tpu.memory_space<vmem_shared>>) target_semaphore(%run_scoped3A : memref<!tpu.dma_semaphore, #tpu.memory_space<semaphore_mem>>)
      %dma_wait3A_284 = tpu.memref_slice %arg12[%mul3A_273] : memref<1024xf32, #tpu.memory_space<vmem_shared>> -> memref<64xf32, #tpu.memory_space<vmem_shared>>
      %dma_wait3A_285 = tpu.memref_slice %arg12[%mul3A_273] : memref<1024xf32, #tpu.memory_space<vmem_shared>> -> memref<64xf32, #tpu.memory_space<vmem_shared>>
      tpu.wait_dma2 semaphore(%run_scoped3A : memref<!tpu.dma_semaphore, #tpu.memory_space<semaphore_mem>>) src(%arg7 : memref<64xf32, #tpu.memory_space<vmem>>) dst(%dma_wait3A_285 : memref<64xf32, #tpu.memory_space<vmem_shared>>)
      tpu.yield
    }) : () -> ()
    %barrier3A = arith.constant 0 : index
    tpu.barrier barrier_id(%barrier3A)
    %eq3A_274 = arith.constant 0 : i32
    %eq3A_275 = arith.cmpi eq, %arg0, %eq3A_274 : i32
    %eq3A_276 = arith.constant 0 : i32
    %eq3A_277 = arith.cmpi eq, %arg1, %eq3A_276 : i32
    %and3A_278 = arith.andi %eq3A_275, %eq3A_277 : i1
    %convert_element_type3A_279 = arith.extui %and3A_278 : i1 to i32
    %cond3A_280 = arith.constant 0 : i32
    %cond3A_281 = arith.cmpi ne, %convert_element_type3A_279, %cond3A_280 : i32
    scf.if %cond3A_281 {
      "tpu.region"() ({
        %run_scoped3A = tpu.sem_alloc : memref<!tpu.dma_semaphore, #tpu.memory_space<semaphore_mem>>
        tpu.enqueue_dma source(%arg12 : memref<1024xf32, #tpu.memory_space<vmem_shared>>) target(%arg8 : memref<1024xf32, #tpu.memory_space<vmem>>) target_semaphore(%run_scoped3A : memref<!tpu.dma_semaphore, #tpu.memory_space<semaphore_mem>>)
        tpu.wait_dma2 semaphore(%run_scoped3A : memref<!tpu.dma_semaphore, #tpu.memory_space<semaphore_mem>>) src(%arg12 : memref<1024xf32, #tpu.memory_space<vmem_shared>>) dst(%arg8 : memref<1024xf32, #tpu.memory_space<vmem>>)
        tpu.yield
      }) : () -> ()
      tpu.wait_dma2 semaphore(%arg14 : memref<!tpu.dma_semaphore, #tpu.memory_space<semaphore_mem>>) src(%arg3 : memref<64xf32, #tpu.memory_space<hbm>>) dst(%arg9 : memref<64xf32, #tpu.memory_space<vmem>>)
      %get3A_282 = arith.constant 0 : index
      %get3A_283 = tpu.vector_load %arg8[%get3A_282] {strides = array<i32>} : memref<1024xf32, #tpu.memory_space<vmem>>, vector<16xf32>,
      %get3A_284 = arith.constant 64 : index
      %get3A_285 = tpu.vector_load %arg8[%get3A_284] {strides = array<i32>} : memref<1024xf32, #tpu.memory_space<vmem>>, vector<16xf32>,
      %add3A = arith.addf %get3A_283, %get3A_285 : vector<16xf32>
      %get3A_286 = arith.constant 128 : index
      %get3A_287 = tpu.vector_load %arg8[%get3A_286] {strides = array<i32>} : memref<1024xf32, #tpu.memory_space<vmem>>, vector<16xf32>,
      %add3A_288 = arith.addf %add3A, %get3A_287 : vector<16xf32>
      %get3A_289 = arith.constant 192 : index
      %get3A_290 = tpu.vector_load %arg8[%get3A_289] {strides = array<i32>} : memref<1024xf32, #tpu.memory_space<vmem>>, vector<16xf32>,
      %add3A_291 = arith.addf %add3A_288, %get3A_290 : vector<16xf32>
      %get3A_292 = arith.constant 256 : index
      %get3A_293 = tpu.vector_load %arg8[%get3A_292] {strides = array<i32>} : memref<1024xf32, #tpu.memory_space<vmem>>, vector<16xf32>,
      %add3A_294 = arith.addf %add3A_291, %get3A_293 : vector<16xf32>
      %get3A_295 = arith.constant 320 : index
      %get3A_296 = tpu.vector_load %arg8[%get3A_295] {strides = array<i32>} : memref<1024xf32, #tpu.memory_space<vmem>>, vector<16xf32>,
      %add3A_297 = arith.addf %add3A_294, %get3A_296 : vector<16xf32>
      %get3A_298 = arith.constant 384 : index
      %get3A_299 = tpu.vector_load %arg8[%get3A_298] {strides = array<i32>} : memref<1024xf32, #tpu.memory_space<vmem>>, vector<16xf32>,
      %add3A_300 = arith.addf %add3A_297, %get3A_299 : vector<16xf32>
      %get3A_301 = arith.constant 448 : index
      %get3A_302 = tpu.vector_load %arg8[%get3A_301] {strides = array<i32>} : memref<1024xf32, #tpu.memory_space<vmem>>, vector<16xf32>,
      %add3A_303 = arith.addf %add3A_300, %get3A_302 : vector<16xf32>
      %get3A_304 = arith.constant 512 : index
      %get3A_305 = tpu.vector_load %arg8[%get3A_304] {strides = array<i32>} : memref<1024xf32, #tpu.memory_space<vmem>>, vector<16xf32>,
      %add3A_306 = arith.addf %add3A_303, %get3A_305 : vector<16xf32>
      %get3A_307 = arith.constant 576 : index
      %get3A_308 = tpu.vector_load %arg8[%get3A_307] {strides = array<i32>} : memref<1024xf32, #tpu.memory_space<vmem>>, vector<16xf32>,
      %add3A_309 = arith.addf %add3A_306, %get3A_308 : vector<16xf32>
      %get3A_310 = arith.constant 640 : index
      %get3A_311 = tpu.vector_load %arg8[%get3A_310] {strides = array<i32>} : memref<1024xf32, #tpu.memory_space<vmem>>, vector<16xf32>,
      %add3A_312 = arith.addf %add3A_309, %get3A_311 : vector<16xf32>
      %get3A_313 = arith.constant 704 : index
      %get3A_314 = tpu.vector_load %arg8[%get3A_313] {strides = array<i32>} : memref<1024xf32, #tpu.memory_space<vmem>>, vector<16xf32>,
      %add3A_315 = arith.addf %add3A_312, %get3A_314 : vector<16xf32>
      %get3A_316 = arith.constant 768 : index
      %get3A_317 = tpu.vector_load %arg8[%get3A_316] {strides = array<i32>} : memref<1024xf32, #tpu.memory_space<vmem>>, vector<16xf32>,
      %add3A_318 = arith.addf %add3A_315, %get3A_317 : vector<16xf32>
      %get3A_319 = arith.constant 832 : index
      %get3A_320 = tpu.vector_load %arg8[%get3A_319] {strides = array<i32>} : memref<1024xf32, #tpu.memory_space<vmem>>, vector<16xf32>,
      %add3A_321 = arith.addf %add3A_318, %get3A_320 : vector<16xf32>
      %get3A_322 = arith.constant 896 : index
      %get3A_323 = tpu.vector_load %arg8[%get3A_322] {strides = array<i32>} : memref<1024xf32, #tpu.memory_space<vmem>>, vector<16xf32>,
      %add3A_324 = arith.addf %add3A_321, %get3A_323 : vector<16xf32>
      %get3A_325 = arith.constant 960 : index
      %get3A_326 = tpu.vector_load %arg8[%get3A_325] {strides = array<i32>} : memref<1024xf32, #tpu.memory_space<vmem>>, vector<16xf32>,
      %add3A_327 = arith.addf %add3A_324, %get3A_326 : vector<16xf32>
      %get3A_328 = arith.constant 16 : index
      %get3A_329 = tpu.vector_load %arg8[%get3A_328] {strides = array<i32>} : memref<1024xf32, #tpu.memory_space<vmem>>, vector<16xf32>,
      %get3A_330 = arith.constant 80 : index
      %get3A_331 = tpu.vector_load %arg8[%get3A_330] {strides = array<i32>} : memref<1024xf32, #tpu.memory_space<vmem>>, vector<16xf32>,
      %add3A_332 = arith.addf %get3A_329, %get3A_331 : vector<16xf32>
      %get3A_333 = arith.constant 144 : index
      %get3A_334 = tpu.vector_load %arg8[%get3A_333] {strides = array<i32>} : memref<1024xf32, #tpu.memory_space<vmem>>, vector<16xf32>,
      %add3A_335 = arith.addf %add3A_332, %get3A_334 : vector<16xf32>
      %get3A_336 = arith.constant 208 : index
      %get3A_337 = tpu.vector_load %arg8[%get3A_336] {strides = array<i32>} : memref<1024xf32, #tpu.memory_space<vmem>>, vector<16xf32>,
      %add3A_338 = arith.addf %add3A_335, %get3A_337 : vector<16xf32>
      %get3A_339 = arith.constant 272 : index
      %get3A_340 = tpu.vector_load %arg8[%get3A_339] {strides = array<i32>} : memref<1024xf32, #tpu.memory_space<vmem>>, vector<16xf32>,
      %add3A_341 = arith.addf %add3A_338, %get3A_340 : vector<16xf32>
      %get3A_342 = arith.constant 336 : index
      %get3A_343 = tpu.vector_load %arg8[%get3A_342] {strides = array<i32>} : memref<1024xf32, #tpu.memory_space<vmem>>, vector<16xf32>,
      %add3A_344 = arith.addf %add3A_341, %get3A_343 : vector<16xf32>
      %get3A_345 = arith.constant 400 : index
      %get3A_346 = tpu.vector_load %arg8[%get3A_345] {strides = array<i32>} : memref<1024xf32, #tpu.memory_space<vmem>>, vector<16xf32>,
      %add3A_347 = arith.addf %add3A_344, %get3A_346 : vector<16xf32>
      %get3A_348 = arith.constant 464 : index
      %get3A_349 = tpu.vector_load %arg8[%get3A_348] {strides = array<i32>} : memref<1024xf32, #tpu.memory_space<vmem>>, vector<16xf32>,
      %add3A_350 = arith.addf %add3A_347, %get3A_349 : vector<16xf32>
      %get3A_351 = arith.constant 528 : index
      %get3A_352 = tpu.vector_load %arg8[%get3A_351] {strides = array<i32>} : memref<1024xf32, #tpu.memory_space<vmem>>, vector<16xf32>,
      %add3A_353 = arith.addf %add3A_350, %get3A_352 : vector<16xf32>
      %get3A_354 = arith.constant 592 : index
      %get3A_355 = tpu.vector_load %arg8[%get3A_354] {strides = array<i32>} : memref<1024xf32, #tpu.memory_space<vmem>>, vector<16xf32>,
      %add3A_356 = arith.addf %add3A_353, %get3A_355 : vector<16xf32>
      %get3A_357 = arith.constant 656 : index
      %get3A_358 = tpu.vector_load %arg8[%get3A_357] {strides = array<i32>} : memref<1024xf32, #tpu.memory_space<vmem>>, vector<16xf32>,
      %add3A_359 = arith.addf %add3A_356, %get3A_358 : vector<16xf32>
      %get3A_360 = arith.constant 720 : index
      %get3A_361 = tpu.vector_load %arg8[%get3A_360] {strides = array<i32>} : memref<1024xf32, #tpu.memory_space<vmem>>, vector<16xf32>,
      %add3A_362 = arith.addf %add3A_359, %get3A_361 : vector<16xf32>
      %get3A_363 = arith.constant 784 : index
      %get3A_364 = tpu.vector_load %arg8[%get3A_363] {strides = array<i32>} : memref<1024xf32, #tpu.memory_space<vmem>>, vector<16xf32>,
      %add3A_365 = arith.addf %add3A_362, %get3A_364 : vector<16xf32>
      %get3A_366 = arith.constant 848 : index
      %get3A_367 = tpu.vector_load %arg8[%get3A_366] {strides = array<i32>} : memref<1024xf32, #tpu.memory_space<vmem>>, vector<16xf32>,
      %add3A_368 = arith.addf %add3A_365, %get3A_367 : vector<16xf32>
      %get3A_369 = arith.constant 912 : index
      %get3A_370 = tpu.vector_load %arg8[%get3A_369] {strides = array<i32>} : memref<1024xf32, #tpu.memory_space<vmem>>, vector<16xf32>,
      %add3A_371 = arith.addf %add3A_368, %get3A_370 : vector<16xf32>
      %get3A_372 = arith.constant 976 : index
      %get3A_373 = tpu.vector_load %arg8[%get3A_372] {strides = array<i32>} : memref<1024xf32, #tpu.memory_space<vmem>>, vector<16xf32>,
      %add3A_374 = arith.addf %add3A_371, %get3A_373 : vector<16xf32>
      %get3A_375 = arith.constant 32 : index
      %get3A_376 = tpu.vector_load %arg8[%get3A_375] {strides = array<i32>} : memref<1024xf32, #tpu.memory_space<vmem>>, vector<16xf32>,
      %get3A_377 = arith.constant 96 : index
      %get3A_378 = tpu.vector_load %arg8[%get3A_377] {strides = array<i32>} : memref<1024xf32, #tpu.memory_space<vmem>>, vector<16xf32>,
      %add3A_379 = arith.addf %get3A_376, %get3A_378 : vector<16xf32>
      %get3A_380 = arith.constant 160 : index
      %get3A_381 = tpu.vector_load %arg8[%get3A_380] {strides = array<i32>} : memref<1024xf32, #tpu.memory_space<vmem>>, vector<16xf32>,
      %add3A_382 = arith.addf %add3A_379, %get3A_381 : vector<16xf32>
      %get3A_383 = arith.constant 224 : index
      %get3A_384 = tpu.vector_load %arg8[%get3A_383] {strides = array<i32>} : memref<1024xf32, #tpu.memory_space<vmem>>, vector<16xf32>,
      %add3A_385 = arith.addf %add3A_382, %get3A_384 : vector<16xf32>
      %get3A_386 = arith.constant 288 : index
      %get3A_387 = tpu.vector_load %arg8[%get3A_386] {strides = array<i32>} : memref<1024xf32, #tpu.memory_space<vmem>>, vector<16xf32>,
      %add3A_388 = arith.addf %add3A_385, %get3A_387 : vector<16xf32>
      %get3A_389 = arith.constant 352 : index
      %get3A_390 = tpu.vector_load %arg8[%get3A_389] {strides = array<i32>} : memref<1024xf32, #tpu.memory_space<vmem>>, vector<16xf32>,
      %add3A_391 = arith.addf %add3A_388, %get3A_390 : vector<16xf32>
      %get3A_392 = arith.constant 416 : index
      %get3A_393 = tpu.vector_load %arg8[%get3A_392] {strides = array<i32>} : memref<1024xf32, #tpu.memory_space<vmem>>, vector<16xf32>,
      %add3A_394 = arith.addf %add3A_391, %get3A_393 : vector<16xf32>
      %get3A_395 = arith.constant 480 : index
      %get3A_396 = tpu.vector_load %arg8[%get3A_395] {strides = array<i32>} : memref<1024xf32, #tpu.memory_space<vmem>>, vector<16xf32>,
      %add3A_397 = arith.addf %add3A_394, %get3A_396 : vector<16xf32>
      %get3A_398 = arith.constant 544 : index
      %get3A_399 = tpu.vector_load %arg8[%get3A_398] {strides = array<i32>} : memref<1024xf32, #tpu.memory_space<vmem>>, vector<16xf32>,
      %add3A_400 = arith.addf %add3A_397, %get3A_399 : vector<16xf32>
      %get3A_401 = arith.constant 608 : index
      %get3A_402 = tpu.vector_load %arg8[%get3A_401] {strides = array<i32>} : memref<1024xf32, #tpu.memory_space<vmem>>, vector<16xf32>,
      %add3A_403 = arith.addf %add3A_400, %get3A_402 : vector<16xf32>
      %get3A_404 = arith.constant 672 : index
      %get3A_405 = tpu.vector_load %arg8[%get3A_404] {strides = array<i32>} : memref<1024xf32, #tpu.memory_space<vmem>>, vector<16xf32>,
      %add3A_406 = arith.addf %add3A_403, %get3A_405 : vector<16xf32>
      %get3A_407 = arith.constant 736 : index
      %get3A_408 = tpu.vector_load %arg8[%get3A_407] {strides = array<i32>} : memref<1024xf32, #tpu.memory_space<vmem>>, vector<16xf32>,
      %add3A_409 = arith.addf %add3A_406, %get3A_408 : vector<16xf32>
      %get3A_410 = arith.constant 800 : index
      %get3A_411 = tpu.vector_load %arg8[%get3A_410] {strides = array<i32>} : memref<1024xf32, #tpu.memory_space<vmem>>, vector<16xf32>,
      %add3A_412 = arith.addf %add3A_409, %get3A_411 : vector<16xf32>
      %get3A_413 = arith.constant 864 : index
      %get3A_414 = tpu.vector_load %arg8[%get3A_413] {strides = array<i32>} : memref<1024xf32, #tpu.memory_space<vmem>>, vector<16xf32>,
      %add3A_415 = arith.addf %add3A_412, %get3A_414 : vector<16xf32>
      %get3A_416 = arith.constant 928 : index
      %get3A_417 = tpu.vector_load %arg8[%get3A_416] {strides = array<i32>} : memref<1024xf32, #tpu.memory_space<vmem>>, vector<16xf32>,
      %add3A_418 = arith.addf %add3A_415, %get3A_417 : vector<16xf32>
      %get3A_419 = arith.constant 992 : index
      %get3A_420 = tpu.vector_load %arg8[%get3A_419] {strides = array<i32>} : memref<1024xf32, #tpu.memory_space<vmem>>, vector<16xf32>,
      %add3A_421 = arith.addf %add3A_418, %get3A_420 : vector<16xf32>
      %get3A_422 = arith.constant 48 : index
      %get3A_423 = tpu.vector_load %arg8[%get3A_422] {strides = array<i32>} : memref<1024xf32, #tpu.memory_space<vmem>>, vector<16xf32>,
      %get3A_424 = arith.constant 112 : index
      %get3A_425 = tpu.vector_load %arg8[%get3A_424] {strides = array<i32>} : memref<1024xf32, #tpu.memory_space<vmem>>, vector<16xf32>,
      %add3A_426 = arith.addf %get3A_423, %get3A_425 : vector<16xf32>
      %get3A_427 = arith.constant 176 : index
      %get3A_428 = tpu.vector_load %arg8[%get3A_427] {strides = array<i32>} : memref<1024xf32, #tpu.memory_space<vmem>>, vector<16xf32>,
      %add3A_429 = arith.addf %add3A_426, %get3A_428 : vector<16xf32>
      %get3A_430 = arith.constant 240 : index
      %get3A_431 = tpu.vector_load %arg8[%get3A_430] {strides = array<i32>} : memref<1024xf32, #tpu.memory_space<vmem>>, vector<16xf32>,
      %add3A_432 = arith.addf %add3A_429, %get3A_431 : vector<16xf32>
      %get3A_433 = arith.constant 304 : index
      %get3A_434 = tpu.vector_load %arg8[%get3A_433] {strides = array<i32>} : memref<1024xf32, #tpu.memory_space<vmem>>, vector<16xf32>,
      %add3A_435 = arith.addf %add3A_432, %get3A_434 : vector<16xf32>
      %get3A_436 = arith.constant 368 : index
      %get3A_437 = tpu.vector_load %arg8[%get3A_436] {strides = array<i32>} : memref<1024xf32, #tpu.memory_space<vmem>>, vector<16xf32>,
      %add3A_438 = arith.addf %add3A_435, %get3A_437 : vector<16xf32>
      %get3A_439 = arith.constant 432 : index
      %get3A_440 = tpu.vector_load %arg8[%get3A_439] {strides = array<i32>} : memref<1024xf32, #tpu.memory_space<vmem>>, vector<16xf32>,
      %add3A_441 = arith.addf %add3A_438, %get3A_440 : vector<16xf32>
      %get3A_442 = arith.constant 496 : index
      %get3A_443 = tpu.vector_load %arg8[%get3A_442] {strides = array<i32>} : memref<1024xf32, #tpu.memory_space<vmem>>, vector<16xf32>,
      %add3A_444 = arith.addf %add3A_441, %get3A_443 : vector<16xf32>
      %get3A_445 = arith.constant 560 : index
      %get3A_446 = tpu.vector_load %arg8[%get3A_445] {strides = array<i32>} : memref<1024xf32, #tpu.memory_space<vmem>>, vector<16xf32>,
      %add3A_447 = arith.addf %add3A_444, %get3A_446 : vector<16xf32>
      %get3A_448 = arith.constant 624 : index
      %get3A_449 = tpu.vector_load %arg8[%get3A_448] {strides = array<i32>} : memref<1024xf32, #tpu.memory_space<vmem>>, vector<16xf32>,
      %add3A_450 = arith.addf %add3A_447, %get3A_449 : vector<16xf32>
      %get3A_451 = arith.constant 688 : index
      %get3A_452 = tpu.vector_load %arg8[%get3A_451] {strides = array<i32>} : memref<1024xf32, #tpu.memory_space<vmem>>, vector<16xf32>,
      %add3A_453 = arith.addf %add3A_450, %get3A_452 : vector<16xf32>
      %get3A_454 = arith.constant 752 : index
      %get3A_455 = tpu.vector_load %arg8[%get3A_454] {strides = array<i32>} : memref<1024xf32, #tpu.memory_space<vmem>>, vector<16xf32>,
      %add3A_456 = arith.addf %add3A_453, %get3A_455 : vector<16xf32>
      %get3A_457 = arith.constant 816 : index
      %get3A_458 = tpu.vector_load %arg8[%get3A_457] {strides = array<i32>} : memref<1024xf32, #tpu.memory_space<vmem>>, vector<16xf32>,
      %add3A_459 = arith.addf %add3A_456, %get3A_458 : vector<16xf32>
      %get3A_460 = arith.constant 880 : index
      %get3A_461 = tpu.vector_load %arg8[%get3A_460] {strides = array<i32>} : memref<1024xf32, #tpu.memory_space<vmem>>, vector<16xf32>,
      %add3A_462 = arith.addf %add3A_459, %get3A_461 : vector<16xf32>
      %get3A_463 = arith.constant 944 : index
      %get3A_464 = tpu.vector_load %arg8[%get3A_463] {strides = array<i32>} : memref<1024xf32, #tpu.memory_space<vmem>>, vector<16xf32>,
      %add3A_465 = arith.addf %add3A_462, %get3A_464 : vector<16xf32>
      %get3A_466 = arith.constant 1008 : index
      %get3A_467 = tpu.vector_load %arg8[%get3A_466] {strides = array<i32>} : memref<1024xf32, #tpu.memory_space<vmem>>, vector<16xf32>,
      %add3A_468 = arith.addf %add3A_465, %get3A_467 : vector<16xf32>
      %get3A_469 = arith.constant 0 : index
      %get3A_470 = tpu.vector_load %arg9[%get3A_469] {strides = array<i32>} : memref<64xf32, #tpu.memory_space<vmem>>, vector<16xf32>,
      %mul3A_471 = arith.constant 0.899999976 : f32
      %mul3A_472 = vector.broadcast %mul3A_471 : f32 to vector<16xf32>
      %mul3A_473 = arith.mulf %mul3A_472, %get3A_470 : vector<16xf32>
      %mul3A_474 = arith.constant 3.05175781E-5 : f32
      %mul3A_475 = vector.broadcast %mul3A_474 : f32 to vector<16xf32>
      %mul3A_476 = arith.mulf %add3A_327, %mul3A_475 : vector<16xf32>
      %mul3A_477 = arith.constant 1.000000e-01 : f32
      %mul3A_478 = vector.broadcast %mul3A_477 : f32 to vector<16xf32>
      %mul3A_479 = arith.mulf %mul3A_478, %mul3A_476 : vector<16xf32>
      %add3A_480 = arith.addf %mul3A_473, %mul3A_479 : vector<16xf32>
      %get3A_481 = arith.constant 16 : index
      %get3A_482 = tpu.vector_load %arg9[%get3A_481] {strides = array<i32>} : memref<64xf32, #tpu.memory_space<vmem>>, vector<16xf32>,
      %mul3A_483 = arith.constant 0.899999976 : f32
      %mul3A_484 = vector.broadcast %mul3A_483 : f32 to vector<16xf32>
      %mul3A_485 = arith.mulf %mul3A_484, %get3A_482 : vector<16xf32>
      %mul3A_486 = arith.constant 3.05175781E-5 : f32
      %mul3A_487 = vector.broadcast %mul3A_486 : f32 to vector<16xf32>
      %mul3A_488 = arith.mulf %add3A_374, %mul3A_487 : vector<16xf32>
      %mul3A_489 = arith.constant 1.000000e-01 : f32
      %mul3A_490 = vector.broadcast %mul3A_489 : f32 to vector<16xf32>
      %mul3A_491 = arith.mulf %mul3A_490, %mul3A_488 : vector<16xf32>
      %add3A_492 = arith.addf %mul3A_485, %mul3A_491 : vector<16xf32>
      %get3A_493 = arith.constant 32 : index
      %get3A_494 = tpu.vector_load %arg9[%get3A_493] {strides = array<i32>} : memref<64xf32, #tpu.memory_space<vmem>>, vector<16xf32>,
      %mul3A_495 = arith.constant 0.899999976 : f32
      %mul3A_496 = vector.broadcast %mul3A_495 : f32 to vector<16xf32>
      %mul3A_497 = arith.mulf %mul3A_496, %get3A_494 : vector<16xf32>
      %mul3A_498 = arith.constant 3.05175781E-5 : f32
      %mul3A_499 = vector.broadcast %mul3A_498 : f32 to vector<16xf32>
      %mul3A_500 = arith.mulf %add3A_421, %mul3A_499 : vector<16xf32>
      %mul3A_501 = arith.constant 1.000000e-01 : f32
      %mul3A_502 = vector.broadcast %mul3A_501 : f32 to vector<16xf32>
      %mul3A_503 = arith.mulf %mul3A_502, %mul3A_500 : vector<16xf32>
      %add3A_504 = arith.addf %mul3A_497, %mul3A_503 : vector<16xf32>
      %get3A_505 = arith.constant 48 : index
      %get3A_506 = tpu.vector_load %arg9[%get3A_505] {strides = array<i32>} : memref<64xf32, #tpu.memory_space<vmem>>, vector<16xf32>,
      %mul3A_507 = arith.constant 0.899999976 : f32
      %mul3A_508 = vector.broadcast %mul3A_507 : f32 to vector<16xf32>
      %mul3A_509 = arith.mulf %mul3A_508, %get3A_506 : vector<16xf32>
      %mul3A_510 = arith.constant 3.05175781E-5 : f32
      %mul3A_511 = vector.broadcast %mul3A_510 : f32 to vector<16xf32>
      %mul3A_512 = arith.mulf %add3A_468, %mul3A_511 : vector<16xf32>
      %mul3A_513 = arith.constant 1.000000e-01 : f32
      %mul3A_514 = vector.broadcast %mul3A_513 : f32 to vector<16xf32>
      %mul3A_515 = arith.mulf %mul3A_514, %mul3A_512 : vector<16xf32>
      %add3A_516 = arith.addf %mul3A_509, %mul3A_515 : vector<16xf32>
      %add3A_517 = arith.constant 9.99999997E-7 : f32
      %add3A_518 = vector.broadcast %add3A_517 : f32 to vector<16xf32>
      %add3A_519 = arith.addf %add3A_480, %add3A_518 : vector<16xf32>
      %div3A = arith.constant 1.000000e+00 : f32
      %div3A_520 = vector.broadcast %div3A : f32 to vector<16xf32>
      %div3A_521 = arith.divf %div3A_520, %add3A_519 : vector<16xf32>
      %add3A_522 = arith.constant 9.99999997E-7 : f32
      %add3A_523 = vector.broadcast %add3A_522 : f32 to vector<16xf32>
      %add3A_524 = arith.addf %add3A_492, %add3A_523 : vector<16xf32>
      %div3A_525 = arith.constant 1.000000e+00 : f32
      %div3A_526 = vector.broadcast %div3A_525 : f32 to vector<16xf32>
      %div3A_527 = arith.divf %div3A_526, %add3A_524 : vector<16xf32>
      %add3A_528 = arith.constant 9.99999997E-7 : f32
      %add3A_529 = vector.broadcast %add3A_528 : f32 to vector<16xf32>
      %add3A_530 = arith.addf %add3A_504, %add3A_529 : vector<16xf32>
      %div3A_531 = arith.constant 1.000000e+00 : f32
      %div3A_532 = vector.broadcast %div3A_531 : f32 to vector<16xf32>
      %div3A_533 = arith.divf %div3A_532, %add3A_530 : vector<16xf32>
      %add3A_534 = arith.constant 9.99999997E-7 : f32
      %add3A_535 = vector.broadcast %add3A_534 : f32 to vector<16xf32>
      %add3A_536 = arith.addf %add3A_516, %add3A_535 : vector<16xf32>
      %div3A_537 = arith.constant 1.000000e+00 : f32
      %div3A_538 = vector.broadcast %div3A_537 : f32 to vector<16xf32>
      %div3A_539 = arith.divf %div3A_538, %add3A_536 : vector<16xf32>
      %add3A_540 = arith.addf %div3A_521, %div3A_527 : vector<16xf32>
      %add3A_541 = arith.addf %add3A_540, %div3A_533 : vector<16xf32>
      %add3A_542 = arith.addf %add3A_541, %div3A_539 : vector<16xf32>
      %reduce_sum3A = arith.constant true
      %reduce_sum3A_543 = vector.broadcast %reduce_sum3A : i1 to vector<16xi1>
      %reduce_sum3A_544 = tpu.scan <sum>, %add3A_542 masked %reduce_sum3A_543 : vector<16xf32>, vector<16xi1> -> vector<16xf32>
      %reduce_sum3A_545 = vector.extract %reduce_sum3A_544[15] : f32 from vector<16xf32>
      %div3A_546 = vector.broadcast %reduce_sum3A_545 : f32 to vector<16xf32>
      %div3A_547 = arith.divf %div3A_521, %div3A_546 : vector<16xf32>
      %mul3A_548 = arith.constant 3.000000e-01 : f32
      %mul3A_549 = vector.broadcast %mul3A_548 : f32 to vector<16xf32>
      %mul3A_550 = arith.mulf %mul3A_549, %div3A_547 : vector<16xf32>
      %add3A_551 = arith.constant 1.093750e-02 : f32
      %add3A_552 = vector.broadcast %add3A_551 : f32 to vector<16xf32>
      %add3A_553 = arith.addf %add3A_552, %mul3A_550 : vector<16xf32>
      %div3A_554 = vector.broadcast %reduce_sum3A_545 : f32 to vector<16xf32>
      %div3A_555 = arith.divf %div3A_527, %div3A_554 : vector<16xf32>
      %mul3A_556 = arith.constant 3.000000e-01 : f32
      %mul3A_557 = vector.broadcast %mul3A_556 : f32 to vector<16xf32>
      %mul3A_558 = arith.mulf %mul3A_557, %div3A_555 : vector<16xf32>
      %add3A_559 = arith.constant 1.093750e-02 : f32
      %add3A_560 = vector.broadcast %add3A_559 : f32 to vector<16xf32>
      %add3A_561 = arith.addf %add3A_560, %mul3A_558 : vector<16xf32>
      %div3A_562 = vector.broadcast %reduce_sum3A_545 : f32 to vector<16xf32>
      %div3A_563 = arith.divf %div3A_533, %div3A_562 : vector<16xf32>
      %mul3A_564 = arith.constant 3.000000e-01 : f32
      %mul3A_565 = vector.broadcast %mul3A_564 : f32 to vector<16xf32>
      %mul3A_566 = arith.mulf %mul3A_565, %div3A_563 : vector<16xf32>
      %add3A_567 = arith.constant 1.093750e-02 : f32
      %add3A_568 = vector.broadcast %add3A_567 : f32 to vector<16xf32>
      %add3A_569 = arith.addf %add3A_568, %mul3A_566 : vector<16xf32>
      %div3A_570 = vector.broadcast %reduce_sum3A_545 : f32 to vector<16xf32>
      %div3A_571 = arith.divf %div3A_539, %div3A_570 : vector<16xf32>
      %mul3A_572 = arith.constant 3.000000e-01 : f32
      %mul3A_573 = vector.broadcast %mul3A_572 : f32 to vector<16xf32>
      %mul3A_574 = arith.mulf %mul3A_573, %div3A_571 : vector<16xf32>
      %add3A_575 = arith.constant 1.093750e-02 : f32
      %add3A_576 = vector.broadcast %add3A_575 : f32 to vector<16xf32>
      %add3A_577 = arith.addf %add3A_576, %mul3A_574 : vector<16xf32>
      %max3A = arith.constant 7.812500e-03 : f32
      %max3A_578 = vector.broadcast %max3A : f32 to vector<16xf32>
      %max3A_579 = arith.maximumf %add3A_553, %max3A_578 : vector<16xf32>
      %max3A_580 = arith.constant 7.812500e-03 : f32
      %max3A_581 = vector.broadcast %max3A_580 : f32 to vector<16xf32>
      %max3A_582 = arith.maximumf %add3A_561, %max3A_581 : vector<16xf32>
      %max3A_583 = arith.constant 7.812500e-03 : f32
      %max3A_584 = vector.broadcast %max3A_583 : f32 to vector<16xf32>
      %max3A_585 = arith.maximumf %add3A_569, %max3A_584 : vector<16xf32>
      %max3A_586 = arith.constant 7.812500e-03 : f32
      %max3A_587 = vector.broadcast %max3A_586 : f32 to vector<16xf32>
      %max3A_588 = arith.maximumf %add3A_577, %max3A_587 : vector<16xf32>
      %add3A_589 = arith.addf %max3A_579, %max3A_582 : vector<16xf32>
      %add3A_590 = arith.addf %add3A_589, %max3A_585 : vector<16xf32>
      %add3A_591 = arith.addf %add3A_590, %max3A_588 : vector<16xf32>
      %reduce_sum3A_592 = arith.constant true
      %reduce_sum3A_593 = vector.broadcast %reduce_sum3A_592 : i1 to vector<16xi1>
      %reduce_sum3A_594 = tpu.scan <sum>, %add3A_591 masked %reduce_sum3A_593 : vector<16xf32>, vector<16xi1> -> vector<16xf32>
      %reduce_sum3A_595 = vector.extract %reduce_sum3A_594[15] : f32 from vector<16xf32>
      %add3A_596 = arith.addf %add3A_327, %add3A_374 : vector<16xf32>
      %add3A_597 = arith.addf %add3A_596, %add3A_421 : vector<16xf32>
      %add3A_598 = arith.addf %add3A_597, %add3A_468 : vector<16xf32>
      %reduce_sum3A_599 = arith.constant true
      %reduce_sum3A_600 = vector.broadcast %reduce_sum3A_599 : i1 to vector<16xi1>
      %reduce_sum3A_601 = tpu.scan <sum>, %add3A_598 masked %reduce_sum3A_600 : vector<16xf32>, vector<16xi1> -> vector<16xf32>
      %reduce_sum3A_602 = vector.extract %reduce_sum3A_601[15] : f32 from vector<16xf32>
      %mul3A_603 = arith.constant 2.000000e+00 : f32
      %mul3A_604 = arith.mulf %reduce_sum3A_602, %mul3A_603 : f32
      %div3A_605 = vector.broadcast %reduce_sum3A_595 : f32 to vector<16xf32>
      %div3A_606 = arith.divf %max3A_579, %div3A_605 : vector<16xf32>
      %mul3A_607 = vector.broadcast %mul3A_604 : f32 to vector<16xf32>
      %mul3A_608 = arith.mulf %div3A_606, %mul3A_607 : vector<16xf32>
      %convert_element_type3A_609 = arith.fptosi %mul3A_608 : vector<16xf32> to vector<16xi32>
      %max3A_610 = arith.constant 1 : i32
      %max3A_611 = vector.broadcast %max3A_610 : i32 to vector<16xi32>
      %max3A_612 = arith.maxsi %convert_element_type3A_609, %max3A_611 : vector<16xi32>
      %swap3A_613 = arith.constant 0 : index
      %swap3A_614 = tpu.vector_load %arg10[%swap3A_613] {strides = array<i32>} : memref<64xi32, #tpu.memory_space<vmem>>, vector<16xi32>,
      tpu.vector_store %arg10[%swap3A_613], %max3A_612 {strides = array<i32>} : memref<64xi32, #tpu.memory_space<vmem>>, vector<16xi32>,
      %swap3A_615 = arith.constant 0 : index
      %swap3A_616 = tpu.vector_load %arg11[%swap3A_615] {strides = array<i32>} : memref<64xf32, #tpu.memory_space<vmem>>, vector<16xf32>,
      tpu.vector_store %arg11[%swap3A_615], %add3A_480 {strides = array<i32>} : memref<64xf32, #tpu.memory_space<vmem>>, vector<16xf32>,
      %div3A_617 = vector.broadcast %reduce_sum3A_595 : f32 to vector<16xf32>
      %div3A_618 = arith.divf %max3A_582, %div3A_617 : vector<16xf32>
      %mul3A_619 = vector.broadcast %mul3A_604 : f32 to vector<16xf32>
      %mul3A_620 = arith.mulf %div3A_618, %mul3A_619 : vector<16xf32>
      %convert_element_type3A_621 = arith.fptosi %mul3A_620 : vector<16xf32> to vector<16xi32>
      %max3A_622 = arith.constant 1 : i32
      %max3A_623 = vector.broadcast %max3A_622 : i32 to vector<16xi32>
      %max3A_624 = arith.maxsi %convert_element_type3A_621, %max3A_623 : vector<16xi32>
      %swap3A_625 = arith.constant 16 : index
      %swap3A_626 = tpu.vector_load %arg10[%swap3A_625] {strides = array<i32>} : memref<64xi32, #tpu.memory_space<vmem>>, vector<16xi32>,
      tpu.vector_store %arg10[%swap3A_625], %max3A_624 {strides = array<i32>} : memref<64xi32, #tpu.memory_space<vmem>>, vector<16xi32>,
      %swap3A_627 = arith.constant 16 : index
      %swap3A_628 = tpu.vector_load %arg11[%swap3A_627] {strides = array<i32>} : memref<64xf32, #tpu.memory_space<vmem>>, vector<16xf32>,
      tpu.vector_store %arg11[%swap3A_627], %add3A_492 {strides = array<i32>} : memref<64xf32, #tpu.memory_space<vmem>>, vector<16xf32>,
      %div3A_629 = vector.broadcast %reduce_sum3A_595 : f32 to vector<16xf32>
      %div3A_630 = arith.divf %max3A_585, %div3A_629 : vector<16xf32>
      %mul3A_631 = vector.broadcast %mul3A_604 : f32 to vector<16xf32>
      %mul3A_632 = arith.mulf %div3A_630, %mul3A_631 : vector<16xf32>
      %convert_element_type3A_633 = arith.fptosi %mul3A_632 : vector<16xf32> to vector<16xi32>
      %max3A_634 = arith.constant 1 : i32
      %max3A_635 = vector.broadcast %max3A_634 : i32 to vector<16xi32>
      %max3A_636 = arith.maxsi %convert_element_type3A_633, %max3A_635 : vector<16xi32>
      %swap3A_637 = arith.constant 32 : index
      %swap3A_638 = tpu.vector_load %arg10[%swap3A_637] {strides = array<i32>} : memref<64xi32, #tpu.memory_space<vmem>>, vector<16xi32>,
      tpu.vector_store %arg10[%swap3A_637], %max3A_636 {strides = array<i32>} : memref<64xi32, #tpu.memory_space<vmem>>, vector<16xi32>,
      %swap3A_639 = arith.constant 32 : index
      %swap3A_640 = tpu.vector_load %arg11[%swap3A_639] {strides = array<i32>} : memref<64xf32, #tpu.memory_space<vmem>>, vector<16xf32>,
      tpu.vector_store %arg11[%swap3A_639], %add3A_504 {strides = array<i32>} : memref<64xf32, #tpu.memory_space<vmem>>, vector<16xf32>,
      %div3A_641 = vector.broadcast %reduce_sum3A_595 : f32 to vector<16xf32>
      %div3A_642 = arith.divf %max3A_588, %div3A_641 : vector<16xf32>
      %mul3A_643 = vector.broadcast %mul3A_604 : f32 to vector<16xf32>
      %mul3A_644 = arith.mulf %div3A_642, %mul3A_643 : vector<16xf32>
      %convert_element_type3A_645 = arith.fptosi %mul3A_644 : vector<16xf32> to vector<16xi32>
      %max3A_646 = arith.constant 1 : i32
      %max3A_647 = vector.broadcast %max3A_646 : i32 to vector<16xi32>
      %max3A_648 = arith.maxsi %convert_element_type3A_645, %max3A_647 : vector<16xi32>
      %swap3A_649 = arith.constant 48 : index
      %swap3A_650 = tpu.vector_load %arg10[%swap3A_649] {strides = array<i32>} : memref<64xi32, #tpu.memory_space<vmem>>, vector<16xi32>,
      tpu.vector_store %arg10[%swap3A_649], %max3A_648 {strides = array<i32>} : memref<64xi32, #tpu.memory_space<vmem>>, vector<16xi32>,
      %swap3A_651 = arith.constant 48 : index
      %swap3A_652 = tpu.vector_load %arg11[%swap3A_651] {strides = array<i32>} : memref<64xf32, #tpu.memory_space<vmem>>, vector<16xf32>,
      tpu.vector_store %arg11[%swap3A_651], %add3A_516 {strides = array<i32>} : memref<64xf32, #tpu.memory_space<vmem>>, vector<16xf32>,
      tpu.enqueue_dma source(%arg10 : memref<64xi32, #tpu.memory_space<vmem>>) target(%arg4 : memref<64xi32, #tpu.memory_space<hbm>>) target_semaphore(%arg14 : memref<!tpu.dma_semaphore, #tpu.memory_space<semaphore_mem>>)
      tpu.enqueue_dma source(%arg11 : memref<64xf32, #tpu.memory_space<vmem>>) target(%arg5 : memref<64xf32, #tpu.memory_space<hbm>>) target_semaphore(%arg14 : memref<!tpu.dma_semaphore, #tpu.memory_space<semaphore_mem>>)
      tpu.wait_dma2 semaphore(%arg14 : memref<!tpu.dma_semaphore, #tpu.memory_space<semaphore_mem>>) src(%arg10 : memref<64xi32, #tpu.memory_space<vmem>>) dst(%arg4 : memref<64xi32, #tpu.memory_space<hbm>>)
      tpu.wait_dma2 semaphore(%arg14 : memref<!tpu.dma_semaphore, #tpu.memory_space<semaphore_mem>>) src(%arg11 : memref<64xf32, #tpu.memory_space<vmem>>) dst(%arg5 : memref<64xf32, #tpu.memory_space<hbm>>)
    } else {
    }
    return
  }
}

</mosaic_0001>

<sc_bundles>
// kernel: kernel.3.cloned.1.call-start
scs
__scs_entry_jumppad:
0x0: {  	(pc) =	sbr.rel $0x88, $3  }
0x1: {  	(tag) =	ssettag $0x0;
	lr =	simm.s32 $0x1  }
0x2: {  	[smem:$0x3F9F] =	sst lr;
	_ =	strace $0xD0000000  }
0x3: {  	_ = 	snop  }
0x4: {  	_ = 	snop  }
0x5: {  	_ = 	snop  }
0x6: {  	_ = 	snop  }
0x7: {  	_ = 	snop  }
__scs_overlays_trampoline_lowered:
0x8: {  	[smem:$0x3FAE] =	sst s0  }
0x9: {  	[smem:$0x3FAF] =	sst s1  }
0xa: {  	[smem:$0x3FB0] =	sst s2  }
0xb: {  	[smem:$0x3FB1] =	sst s3  }
0xc: {  	[smem:$0x3FB2] =	sst s4  }
0xd: {  	[smem:$0x3FB3] =	sst s5  }
0xe: {  	[smem:$0x3FB4] =	sst s6  }
0xf: {  	[smem:$0x3FB5] =	sst s7  }
0x10: {  	[smem:$0x3FB6] =	sst s8  }
0x11: {  	[smem:$0x3FB7] =	sst s9;
	s0 =	simm.s32 @!p0 $0x0  }
0x12: {  	s1 =	sld [smem:$0x3F9D];
	s0 =	simm.s32 @p0 $0x1  }
0x13: {  	[smem:$0x3FB8] =	sst s0;
	s0 =	simm.s32 @!p1 $0x0  }
0x14: {  	s2 =	sld [smem:$0x3F9C];
	s0 =	simm.s32 @p1 $0x1  }
0x15: {  	[smem:$0x3FB9] =	sst s0;
	s0 =	simm.s32 @!p2 $0x0  }
0x16: {  	s3 =	sld [smem:$0x3FDB];
	s0 =	simm.s32 @p2 $0x1  }
0x17: {  	s4 =	simm.s32 $0x1BF5;
	[smem:$0x3FBB] =	sst s0  }
0x18: {  	s0 =	sld [smem:$0x3F9E];
	_ =	swait.ge [sflag:s4], $0x0  }
0x19: {  	s7 =	sld [smem:$0x3F9F]  }
0x1a: {  	s8 =	sadd.s32 $0xFFFFE003, lr  }
0x1b: {  	s9 =	sadd.s32 $0xFFFFFEF7, lr;
	s5 =	simm.s32 $0xFFFFFFFF;
	p2 =	slt.u32 s8, $0xFFFFF086  }
0x1c: {  	p1 =	slt.u32 s9, $0xF7A;
	s5 =	simm.s32 @!p2 $0x0  }
0x1d: {  	s5 =	simm.s32 @p1 $0x1;
	p0 =	seq.s32 s7, s2  }
0x1e: {  	s7 =	smul.u32 @!p0 $0xF7A, s2;
	p2 =	seq.s32 @!p0 s5, $0x0  }
0x1f: {  	s9 =	smul.u32 $0xF7A, s1;
	s8 =	simm.s32 @!p0 $0x1BF5;
	p2 =	por !p2, p0  }
0x20: {  	[sflag:s8] =	ssyncset.s32 @!p0 $0xFFFFF086;
	s6 =	sadd.s32 @!p0 s3, s7;
	s7 =	simm.s32 @!p0 $0x108  }
0x21: {  	s3 =	sadd.s32 s3, s9;
	s6 =	sadd.s32 @!p0 $0x88, s6;
	s7 =	simm.s32 @p2 $0x1082  }
0x22: {  	[simem:s7], [sflag:s8] =	dma.local @!p0 [hbm:s6], $0xF7A  }
0x23: {  	s9 =	sor.u32 $0xD0000000, s2;
	s6 =	simm.s32 $0x108;
	_ =	swait.ge @!p0 [sflag:s8], $0x0  }
0x24: {  	s3 =	sadd.s32 $0x88, s3;
	s6 =	simm.s32 @!p1 $0x1082;
	[sflag:s4] =	ssyncset.s32 $0xFFFFF086  }
0x25: {  	[simem:s6], [sflag:s4] =	dma.local [hbm:s3], $0xF7A  }
0x26: {  	[smem:$0x3F9F] =	sst s1;
	(tag) =	ssettag s2;
	_ =	strace s9  }
0x27: {  	s1 =	sld [smem:$0x3FAF]  }
0x28: {  	s2 =	sld [smem:$0x3FB0]  }
0x29: {  	s4 =	sld [smem:$0x3FB2]  }
0x2a: {  	p0 =	seq.s32 s5, $0x0;
	s5 =	sld [smem:$0x3FB3]  }
0x2b: {  	s6 =	sld [smem:$0x3FB4]  }
0x2c: {  	s7 =	sld [smem:$0x3FB5]  }
0x2d: {  	s3 =	simm.s32 $0x108;
	s8 =	sld [smem:$0x3FB6]  }
0x2e: {  	s3 =	simm.s32 @!p0 $0x1082;
	s9 =	sld [smem:$0x3FB7]  }
0x2f: {  	lr =	sadd.s32 s0, s3;
	s0 =	sld [smem:$0x3FAE]  }
0x30: {  	s3 =	sld [smem:$0x3FB1]  }
0x31: {  	[smem:$0x3FBA] =	sst s10  }
0x32: {  	s10 =	sld [smem:$0x3FB8];
	_ =	sdelay $0x3  }
0x33: {  	p0 =	seq.s32 s10, $0x1;
	s10 =	sld [smem:$0x3FBA];
	_ =	sdelay $0x3  }
0x34: {  	[smem:$0x3FBA] =	sst s10  }
0x35: {  	s10 =	sld [smem:$0x3FB9];
	_ =	sdelay $0x3  }
0x36: {  	p1 =	seq.s32 s10, $0x1;
	s10 =	sld [smem:$0x3FBA];
	_ =	sdelay $0x3  }
0x37: {  	[smem:$0x3FBA] =	sst s10  }
0x38: {  	s10 =	sld [smem:$0x3FBB]  }
0x39: {  	_ = 	snop;
	(pc) =	sbr.ind lr, $3  }
0x3a: {  	_ = 	snop  }
0x3b: {  	_ = 	snop  }
0x3c: {  	p2 =	seq.s32 s10, $0x1;
	s10 =	sld [smem:$0x3FBA]  }
0x3d: {  	_ =	shalt  }
0x3e: {  	_ =	shalt  }
0x3f: {  	_ =	shalt  }
0x40: {  	_ =	shalt  }
0x41: {  	_ =	shalt  }
0x42: {  	_ =	shalt  }
0x43: {  	_ =	shalt  }
0x44: {  	_ =	shalt  }
0x45: {  	_ =	shalt  }
0x46: {  	_ =	shalt  }
0x47: {  	_ =	shalt  }
0x48: {  	_ =	shalt  }
0x49: {  	_ =	shalt  }
0x4a: {  	_ =	shalt  }
0x4b: {  	_ =	shalt  }
0x4c: {  	_ =	shalt  }
0x4d: {  	_ =	shalt  }
0x4e: {  	_ =	shalt  }
0x4f: {  	_ =	shalt  }
0x50: {  	_ =	shalt  }
0x51: {  	_ =	shalt  }
0x52: {  	_ =	shalt  }
0x53: {  	_ =	shalt  }
0x54: {  	_ =	shalt  }
0x55: {  	_ =	shalt  }
0x56: {  	_ =	shalt  }
0x57: {  	_ =	shalt  }
0x58: {  	_ =	shalt  }
0x59: {  	_ =	shalt  }
0x5a: {  	_ =	shalt  }
0x5b: {  	_ =	shalt  }
0x5c: {  	_ =	shalt  }
0x5d: {  	_ =	shalt  }
0x5e: {  	_ =	shalt  }
0x5f: {  	_ =	shalt  }
0x60: {  	_ =	shalt  }
0x61: {  	_ =	shalt  }
0x62: {  	_ =	shalt  }
0x63: {  	_ =	shalt  }
0x64: {  	_ =	shalt  }
0x65: {  	_ =	shalt  }
0x66: {  	_ =	shalt  }
0x67: {  	_ =	shalt  }
0x68: {  	_ =	shalt  }
0x69: {  	_ =	shalt  }
0x6a: {  	_ =	shalt  }
0x6b: {  	_ =	shalt  }
0x6c: {  	_ =	shalt  }
0x6d: {  	_ =	shalt  }
0x6e: {  	_ =	shalt  }
0x6f: {  	_ =	shalt  }
0x70: {  	_ =	shalt  }
0x71: {  	_ =	shalt  }
0x72: {  	_ =	shalt  }
0x73: {  	_ =	shalt  }
0x74: {  	_ =	shalt  }
0x75: {  	_ =	shalt  }
0x76: {  	_ =	shalt  }
0x77: {  	_ =	shalt  }
0x78: {  	_ =	shalt  }
0x79: {  	_ =	shalt  }
0x7a: {  	_ =	shalt  }
0x7b: {  	_ =	shalt  }
0x7c: {  	_ =	shalt  }
0x7d: {  	_ =	shalt  }
0x7e: {  	_ =	shalt  }
0x7f: {  	_ =	shalt  }
0x80: {  	_ =	shalt  }
0x81: {  	_ =	shalt  }
0x82: {  	_ =	shalt  }
0x83: {  	_ =	shalt  }
0x84: {  	_ =	shalt  }
0x85: {  	_ =	shalt  }
0x86: {  	_ =	shalt  }
0x87: {  	_ =	shalt  }
.Lfunc_end0:
.L_simem_size_0:
called_computation_lowered:
.L_overlay_start_0:
0x88: {  	s0 =	sld [smem:$0x3FD9]  }
0x89: {  	s1 =	sld [smem:$0x3FFE];
	_ =	sdelay $0x3  }
0x8a: {  	s0 =	sadd.s32 s1, s0  }
0x8b: {  	[smem:$0x3FC6] =	sst s0  }
0x8c: {  	_ = 	snop  }
0x8d: {  	s0 =	sld [smem:$0x3FD0];
	_ =	sdelay $0x1  }
0x8e: {  	s14 =	sld [smem:$0x3FC9]  }
0x8f: {  	s3 =	simm.s32 $0xA;
	s4 =	simm.s32 $0x10;
	s2 =	sld [smem:$0x3FC8]  }
0x90: {  	[smem:s4], [sflag:s3] =	dma.local [hbm:s0], $0x1  }
0x91: {  	_ =	swait.eq [sflag:s3], $0x1  }
0x92: {  	[sflag:s3] =	ssyncset.done $0x0  }
0x93: {  	s15 =	sld [smem:$0x10];
	[sflag:s3] =	ssyncadd.s32 $0xFFFFFFFF  }
0x94: {  	s16 =	sld [smem:$0x11];
	(tm) =	ssettm $0x1  }
0x95: {  	s17 =	sld [smem:$0x3FFB];
	_ =	sdelay $0x3  }
0x96: {  	_ =	strace s17  }
0x97: {  	s4 =	sld [smem:$0x3FFC];
	_ =	sdelay $0x3  }
0x98: {  	_ =	strace s4  }
0x99: {  	s4 =	sld [smem:$0x3FFD];
	_ =	sdelay $0x3  }
0x9a: {  	_ =	strace s4  }
0x9b: {  	_ =	strace $0x8FFFFFFF  }
0x9c: {  	s18 =	sld [smem:$0x3FDB];
	_ =	sdelay $0x1  }
0x9d: {  	s5 =	simm.s32 $_scs_section_size  }
0x9e: {  	s6 =	simm.s32 $_size__tile_overlayer_lowered;
	s7 =	simm.s32 $_tile_overlayer_lowered  }
0x9f: {  	s21 =	simm.s32 $0x1BFF;
	s20 =	sshll.u32 s7, $0x1;
	s4 =	sadd.s32 s5, s18  }
0xa0: {  	s8 =	simm.s32 $0x0;
	s19 =	sshll.u32 s6, $0x1;
	s6 =	sadd.s32 s20, s4  }
0xa1: {  	[timem:s8], [sflag:s21] =	dma.local [hbm:s6], s19  }
0xa2: {  	_ =	swait.ge [sflag:s21], s19  }
0xa3: {  	s5 =	ssub.s32 $0x0, s19;
	[sflag:s21] =	ssyncset.done $0x0  }
0xa4: {  	[sflag:s21] =	ssyncadd.s32 s5;
	_ =	sdelay $0x1  }
0xa5: {  	s22 =	simm.s32 $0x1B8B  }
0xa6: {  	_ =	swait.ge [sflag:s22], $0x1  }
0xa7: {  	[sflag:s22] =	ssyncset.done $0x0  }
0xa8: {  	s23 =	simm.s32 $0x1B8E;
	[sflag:s22] =	ssyncadd.s32 $0xFFFFFFFF  }
0xa9: {  	s24 =	simm.s32 $execute0_lowered;
	[smem:$0x3FD2] =	sst s23  }
0xaa: {  	s5 =	sshll.u32 s24, $0x1;
	_ =	strace $0x80000046;
	[dreg:$0x1] =	wrdreg $0xFFFFFFFF  }
0xab: {  	s25 =	simm.s32 $_size_execute0_lowered;
	s4 =	sadd.s32 s4, s5;
	[dreg:$0x0] =	wrdreg $0x0  }
0xac: {  	s5 =	sshll.u32 s25, $0x1;
	[dreg:$0x2] =	wrdreg s4  }
0xad: {  	[dreg:$0x3] =	wrdreg s5  }
0xae: {  	[dreg:$0x4] =	wrdreg $0xC0  }
0xaf: {  	_ =	task [dreg:s8], $0x5FFFF  }
0xb0: {  	[dreg:$0x1] =	wrdreg $0xFFFFFFFF  }
0xb1: {  	[dreg:$0x0] =	wrdreg $0x60  }
0xb2: {  	[dreg:$0x2] =	wrdreg s14  }
0xb3: {  	[dreg:$0x3] =	wrdreg s2  }
0xb4: {  	[dreg:$0x4] =	wrdreg s15  }
0xb5: {  	[dreg:$0x5] =	wrdreg s16  }
0xb6: {  	[dreg:$0x6] =	wrdreg $0xE000  }
0xb7: {  	[dreg:$0x7] =	wrdreg $0x9  }
0xb8: {  	_ =	task.clear_ibuf [dreg:s8], $0x8FFFF;
	_ =	strace $0x90000046  }
0xb9: {  	s26 =	simm.s32 $0x9;
	_ =	strace $0x80000048  }
0xba: {  	_ =	swait.ge [sflag:s26], $0x1  }
0xbb: {  	[sflag:s26] =	ssyncadd.s32 $0xFFFFFFFF  }
0xbc: {  	_ =	strace $0x90000048  }
0xbd: {  	_ =	sfence  }
0xbe: {  	s28 =	sld [smem:$0x0];
	_ =	sdelay $0x1  }
0xbf: {  	s29 =	srdreg.scid  }
0xc0: {  	s30 =	sshll.u32 s29, $0xD;
	s31 =	sshrl.u32 s29, $0x2  }
0xc1: {  	s1 =	sand.u32 $0x1, s29;
	s2 =	sand.u32 $0x4000, s30;
	s0 =	sadd.s32 s31, s28  }
0xc2: {  	s1 =	sor.u32 s2, s1;
	s0 =	sshll.u32 s0, $0x11  }
0xc3: {  	s0 =	sor.u32 s0, s1  }
0xc4: {  	s0 =	sadd.s32 $0x8F2B, s0  }
0xc5: {  	[sflag:s0] =	ssyncadd.remote.s32 $0x1  }
0xc6: {  	_ =	sfence.sel $0xFFFF  }
0xc7: {  	[dreg:$0x0] =	wrdreg $0xFFFFFFFF;
	(pc) =	sbr.abs _section_cstart, $3  }
0xc8: {  	[dreg:$0x1] =	wrdreg $0xFFFFFFFF  }
0xc9: {  	_ =	task.clear_ibuf [dreg:s8], $0x2FFFF;
	_ =	strace $0x9FFFFFFF  }
0xca: {  	(tm) =	ssettm $0x7FFFFFFF  }
0xcb: {  	_ =	shalt  }
tec
execute0_lowered:
.L_overlay_start_1:
0x0: {  	(tag) =	ssettag $0x1  }
0x1: {  	s6 =	rddreg [dreg:$0x0]  }
0x2: {  	s7 =	rddreg [dreg:$0x1]  }
0x3: {  	s2 =	rddreg [dreg:$0x2]  }
0x4: {  	s1 =	rddreg [dreg:$0x3]  }
0x5: {  	s4 =	rddreg [dreg:$0x4]  }
0x6: {  	s0 =	rddreg [dreg:$0x5];
	s3 =	simm.s32 $0x0;
	s8 =	stileid.u32  }
0x7: {  	[smem:$0x7FF] =	sst s3;
	s5 =	sshll.u32 s8, $0x8  }
0x8: {  	p0 =	sne.s32 s8, $0x0;
	_ =	strace $0x80000047;
	s6 =	sadd.s32 s6, s5  }
0x9: {  	[tilespmem:s3], [sflag:$0x1] =	stream.linear.gather [hbm4b:s6+s3], $0x800, $0x38;
	[tilespmem:$0xE40] =	vst v63  }
0xa: {  	s8 =	simm.s32 @!p0 $0xC80;
	s6 =	simm.s32 @!p0 $0x0  }
0xb: {  	v0 =	vimm.f32 $0.0e+00;
	[tilespmem:s8], [sflag:$0x2] =	stream.linear.gather @!p0 [hbm4b:s7+s6], $0x80, $0x38;
	[tilespmem:$0xE40] =	vst v63  }
0xc: {  	[tilespmem:$0x800] =	vst v0  }
0xd: {  	[tilespmem:$0x810] =	vst v0  }
0xe: {  	[tilespmem:$0x820] =	vst v0  }
0xf: {  	s30 =	simm.s32 $0x1;
	[tilespmem:$0x830] =	vst v0  }
0x10: {  	_ =	swait.ge [sflag:s30], $0x800  }
0x11: {  	[sflag:s30] =	ssyncset.done $0x0  }
0x12: {  	[sflag:s30] =	ssyncadd.s32 $0xFFFFF800  }
0x13: {  	v1 =	vld [tilespmem:$0x0];
	_ =	sdelay $0x6  }
0x14: {  	v63 =	vimm.f32 $1.000000000e+00;
	s31 =	simm.s32 $0x800  }
0x15: {  	[tilespmem:v1+s31+$0x0] =	vst.idx.add.f32.msk $0xffff, v63  }
0x16: {  	v1 =	vld [tilespmem:$0x10];
	_ =	sdelay $0x7  }
0x17: {  	[tilespmem:v1+s31+$0x0] =	vst.idx.add.f32.msk $0xffff, v63  }
0x18: {  	v1 =	vld [tilespmem:$0x20];
	_ =	sdelay $0x7  }
0x19: {  	[tilespmem:v1+s31+$0x0] =	vst.idx.add.f32.msk $0xffff, v63  }
0x1a: {  	v1 =	vld [tilespmem:$0x30];
	_ =	sdelay $0x7  }
0x1b: {  	[tilespmem:v1+s31+$0x0] =	vst.idx.add.f32.msk $0xffff, v63  }
0x1c: {  	v1 =	vld [tilespmem:$0x40];
	_ =	sdelay $0x7  }
0x1d: {  	[tilespmem:v1+s31+$0x0] =	vst.idx.add.f32.msk $0xffff, v63  }
0x1e: {  	v1 =	vld [tilespmem:$0x50];
	_ =	sdelay $0x7  }
0x1f: {  	[tilespmem:v1+s31+$0x0] =	vst.idx.add.f32.msk $0xffff, v63  }
0x20: {  	v1 =	vld [tilespmem:$0x60];
	_ =	sdelay $0x7  }
0x21: {  	[tilespmem:v1+s31+$0x0] =	vst.idx.add.f32.msk $0xffff, v63  }
0x22: {  	v1 =	vld [tilespmem:$0x70];
	_ =	sdelay $0x7  }
0x23: {  	[tilespmem:v1+s31+$0x0] =	vst.idx.add.f32.msk $0xffff, v63  }
0x24: {  	v1 =	vld [tilespmem:$0x80];
	_ =	sdelay $0x7  }
0x25: {  	[tilespmem:v1+s31+$0x0] =	vst.idx.add.f32.msk $0xffff, v63  }
0x26: {  	v1 =	vld [tilespmem:$0x90];
	_ =	sdelay $0x7  }
0x27: {  	[tilespmem:v1+s31+$0x0] =	vst.idx.add.f32.msk $0xffff, v63  }
0x28: {  	v1 =	vld [tilespmem:$0xA0];
	_ =	sdelay $0x7  }
0x29: {  	[tilespmem:v1+s31+$0x0] =	vst.idx.add.f32.msk $0xffff, v63  }
0x2a: {  	v1 =	vld [tilespmem:$0xB0];
	_ =	sdelay $0x7  }
0x2b: {  	[tilespmem:v1+s31+$0x0] =	vst.idx.add.f32.msk $0xffff, v63  }
0x2c: {  	v1 =	vld [tilespmem:$0xC0];
	_ =	sdelay $0x7  }
0x2d: {  	[tilespmem:v1+s31+$0x0] =	vst.idx.add.f32.msk $0xffff, v63  }
0x2e: {  	v1 =	vld [tilespmem:$0xD0];
	_ =	sdelay $0x7  }
0x2f: {  	[tilespmem:v1+s31+$0x0] =	vst.idx.add.f32.msk $0xffff, v63  }
0x30: {  	v1 =	vld [tilespmem:$0xE0];
	_ =	sdelay $0x7  }
0x31: {  	[tilespmem:v1+s31+$0x0] =	vst.idx.add.f32.msk $0xffff, v63  }
0x32: {  	v1 =	vld [tilespmem:$0xF0];
	_ =	sdelay $0x7  }
0x33: {  	[tilespmem:v1+s31+$0x0] =	vst.idx.add.f32.msk $0xffff, v63  }
0x34: {  	v1 =	vld [tilespmem:$0x100];
	_ =	sdelay $0x7  }
0x35: {  	[tilespmem:v1+s31+$0x0] =	vst.idx.add.f32.msk $0xffff, v63  }
0x36: {  	v1 =	vld [tilespmem:$0x110];
	_ =	sdelay $0x7  }
0x37: {  	[tilespmem:v1+s31+$0x0] =	vst.idx.add.f32.msk $0xffff, v63  }
0x38: {  	v1 =	vld [tilespmem:$0x120];
	_ =	sdelay $0x7  }
0x39: {  	[tilespmem:v1+s31+$0x0] =	vst.idx.add.f32.msk $0xffff, v63  }
0x3a: {  	v1 =	vld [tilespmem:$0x130];
	_ =	sdelay $0x7  }
0x3b: {  	[tilespmem:v1+s31+$0x0] =	vst.idx.add.f32.msk $0xffff, v63  }
0x3c: {  	v1 =	vld [tilespmem:$0x140];
	_ =	sdelay $0x7  }
0x3d: {  	[tilespmem:v1+s31+$0x0] =	vst.idx.add.f32.msk $0xffff, v63  }
0x3e: {  	v1 =	vld [tilespmem:$0x150];
	_ =	sdelay $0x7  }
0x3f: {  	[tilespmem:v1+s31+$0x0] =	vst.idx.add.f32.msk $0xffff, v63  }
0x40: {  	v1 =	vld [tilespmem:$0x160];
	_ =	sdelay $0x7  }
0x41: {  	[tilespmem:v1+s31+$0x0] =	vst.idx.add.f32.msk $0xffff, v63  }
0x42: {  	v1 =	vld [tilespmem:$0x170];
	_ =	sdelay $0x7  }
0x43: {  	[tilespmem:v1+s31+$0x0] =	vst.idx.add.f32.msk $0xffff, v63  }
0x44: {  	v1 =	vld [tilespmem:$0x180];
	_ =	sdelay $0x7  }
0x45: {  	[tilespmem:v1+s31+$0x0] =	vst.idx.add.f32.msk $0xffff, v63  }
0x46: {  	v1 =	vld [tilespmem:$0x190];
	_ =	sdelay $0x7  }
0x47: {  	[tilespmem:v1+s31+$0x0] =	vst.idx.add.f32.msk $0xffff, v63  }
0x48: {  	v1 =	vld [tilespmem:$0x1A0];
	_ =	sdelay $0x7  }
0x49: {  	[tilespmem:v1+s31+$0x0] =	vst.idx.add.f32.msk $0xffff, v63  }
0x4a: {  	v1 =	vld [tilespmem:$0x1B0];
	_ =	sdelay $0x7  }
0x4b: {  	[tilespmem:v1+s31+$0x0] =	vst.idx.add.f32.msk $0xffff, v63  }
0x4c: {  	v1 =	vld [tilespmem:$0x1C0];
	_ =	sdelay $0x7  }
0x4d: {  	[tilespmem:v1+s31+$0x0] =	vst.idx.add.f32.msk $0xffff, v63  }
0x4e: {  	v1 =	vld [tilespmem:$0x1D0];
	_ =	sdelay $0x7  }
0x4f: {  	[tilespmem:v1+s31+$0x0] =	vst.idx.add.f32.msk $0xffff, v63  }
0x50: {  	v1 =	vld [tilespmem:$0x1E0];
	_ =	sdelay $0x7  }
0x51: {  	[tilespmem:v1+s31+$0x0] =	vst.idx.add.f32.msk $0xffff, v63  }
0x52: {  	v1 =	vld [tilespmem:$0x1F0];
	_ =	sdelay $0x7  }
0x53: {  	[tilespmem:v1+s31+$0x0] =	vst.idx.add.f32.msk $0xffff, v63  }
0x54: {  	v1 =	vld [tilespmem:$0x200];
	_ =	sdelay $0x7  }
0x55: {  	[tilespmem:v1+s31+$0x0] =	vst.idx.add.f32.msk $0xffff, v63  }
0x56: {  	v1 =	vld [tilespmem:$0x210];
	_ =	sdelay $0x7  }
0x57: {  	[tilespmem:v1+s31+$0x0] =	vst.idx.add.f32.msk $0xffff, v63  }
0x58: {  	v1 =	vld [tilespmem:$0x220];
	_ =	sdelay $0x7  }
0x59: {  	[tilespmem:v1+s31+$0x0] =	vst.idx.add.f32.msk $0xffff, v63  }
0x5a: {  	v1 =	vld [tilespmem:$0x230];
	_ =	sdelay $0x7  }
0x5b: {  	[tilespmem:v1+s31+$0x0] =	vst.idx.add.f32.msk $0xffff, v63  }
0x5c: {  	v1 =	vld [tilespmem:$0x240];
	_ =	sdelay $0x7  }
0x5d: {  	[tilespmem:v1+s31+$0x0] =	vst.idx.add.f32.msk $0xffff, v63  }
0x5e: {  	v1 =	vld [tilespmem:$0x250];
	_ =	sdelay $0x7  }
0x5f: {  	[tilespmem:v1+s31+$0x0] =	vst.idx.add.f32.msk $0xffff, v63  }
0x60: {  	v1 =	vld [tilespmem:$0x260];
	_ =	sdelay $0x7  }
0x61: {  	[tilespmem:v1+s31+$0x0] =	vst.idx.add.f32.msk $0xffff, v63  }
0x62: {  	v1 =	vld [tilespmem:$0x270];
	_ =	sdelay $0x7  }
0x63: {  	[tilespmem:v1+s31+$0x0] =	vst.idx.add.f32.msk $0xffff, v63  }
0x64: {  	v1 =	vld [tilespmem:$0x280];
	_ =	sdelay $0x7  }
0x65: {  	[tilespmem:v1+s31+$0x0] =	vst.idx.add.f32.msk $0xffff, v63  }
0x66: {  	v1 =	vld [tilespmem:$0x290];
	_ =	sdelay $0x7  }
0x67: {  	[tilespmem:v1+s31+$0x0] =	vst.idx.add.f32.msk $0xffff, v63  }
0x68: {  	v1 =	vld [tilespmem:$0x2A0];
	_ =	sdelay $0x7  }
0x69: {  	[tilespmem:v1+s31+$0x0] =	vst.idx.add.f32.msk $0xffff, v63  }
0x6a: {  	v1 =	vld [tilespmem:$0x2B0];
	_ =	sdelay $0x7  }
0x6b: {  	[tilespmem:v1+s31+$0x0] =	vst.idx.add.f32.msk $0xffff, v63  }
0x6c: {  	v1 =	vld [tilespmem:$0x2C0];
	_ =	sdelay $0x7  }
0x6d: {  	[tilespmem:v1+s31+$0x0] =	vst.idx.add.f32.msk $0xffff, v63  }
0x6e: {  	v1 =	vld [tilespmem:$0x2D0];
	_ =	sdelay $0x7  }
0x6f: {  	[tilespmem:v1+s31+$0x0] =	vst.idx.add.f32.msk $0xffff, v63  }
0x70: {  	v1 =	vld [tilespmem:$0x2E0];
	_ =	sdelay $0x7  }
0x71: {  	[tilespmem:v1+s31+$0x0] =	vst.idx.add.f32.msk $0xffff, v63  }
0x72: {  	v1 =	vld [tilespmem:$0x2F0];
	_ =	sdelay $0x7  }
0x73: {  	[tilespmem:v1+s31+$0x0] =	vst.idx.add.f32.msk $0xffff, v63  }
0x74: {  	v1 =	vld [tilespmem:$0x300];
	_ =	sdelay $0x7  }
0x75: {  	[tilespmem:v1+s31+$0x0] =	vst.idx.add.f32.msk $0xffff, v63  }
0x76: {  	v1 =	vld [tilespmem:$0x310];
	_ =	sdelay $0x7  }
0x77: {  	[tilespmem:v1+s31+$0x0] =	vst.idx.add.f32.msk $0xffff, v63  }
0x78: {  	v1 =	vld [tilespmem:$0x320];
	_ =	sdelay $0x7  }
0x79: {  	[tilespmem:v1+s31+$0x0] =	vst.idx.add.f32.msk $0xffff, v63  }
0x7a: {  	v1 =	vld [tilespmem:$0x330];
	_ =	sdelay $0x7  }
0x7b: {  	[tilespmem:v1+s31+$0x0] =	vst.idx.add.f32.msk $0xffff, v63  }
0x7c: {  	v1 =	vld [tilespmem:$0x340];
	_ =	sdelay $0x7  }
0x7d: {  	[tilespmem:v1+s31+$0x0] =	vst.idx.add.f32.msk $0xffff, v63  }
0x7e: {  	v1 =	vld [tilespmem:$0x350];
	_ =	sdelay $0x7  }
0x7f: {  	[tilespmem:v1+s31+$0x0] =	vst.idx.add.f32.msk $0xffff, v63  }
0x80: {  	v1 =	vld [tilespmem:$0x360];
	_ =	sdelay $0x7  }
0x81: {  	[tilespmem:v1+s31+$0x0] =	vst.idx.add.f32.msk $0xffff, v63  }
0x82: {  	v1 =	vld [tilespmem:$0x370];
	_ =	sdelay $0x7  }
0x83: {  	[tilespmem:v1+s31+$0x0] =	vst.idx.add.f32.msk $0xffff, v63  }
0x84: {  	v1 =	vld [tilespmem:$0x380];
	_ =	sdelay $0x7  }
0x85: {  	[tilespmem:v1+s31+$0x0] =	vst.idx.add.f32.msk $0xffff, v63  }
0x86: {  	v1 =	vld [tilespmem:$0x390];
	_ =	sdelay $0x7  }
0x87: {  	[tilespmem:v1+s31+$0x0] =	vst.idx.add.f32.msk $0xffff, v63  }
0x88: {  	v1 =	vld [tilespmem:$0x3A0];
	_ =	sdelay $0x7  }
0x89: {  	[tilespmem:v1+s31+$0x0] =	vst.idx.add.f32.msk $0xffff, v63  }
0x8a: {  	v1 =	vld [tilespmem:$0x3B0];
	_ =	sdelay $0x7  }
0x8b: {  	[tilespmem:v1+s31+$0x0] =	vst.idx.add.f32.msk $0xffff, v63  }
0x8c: {  	v1 =	vld [tilespmem:$0x3C0];
	_ =	sdelay $0x7  }
0x8d: {  	[tilespmem:v1+s31+$0x0] =	vst.idx.add.f32.msk $0xffff, v63  }
0x8e: {  	v1 =	vld [tilespmem:$0x3D0];
	_ =	sdelay $0x7  }
0x8f: {  	[tilespmem:v1+s31+$0x0] =	vst.idx.add.f32.msk $0xffff, v63  }
0x90: {  	v1 =	vld [tilespmem:$0x3E0];
	_ =	sdelay $0x7  }
0x91: {  	[tilespmem:v1+s31+$0x0] =	vst.idx.add.f32.msk $0xffff, v63  }
0x92: {  	v1 =	vld [tilespmem:$0x3F0];
	_ =	sdelay $0x7  }
0x93: {  	[tilespmem:v1+s31+$0x0] =	vst.idx.add.f32.msk $0xffff, v63  }
0x94: {  	v1 =	vld [tilespmem:$0x400];
	_ =	sdelay $0x7  }
0x95: {  	[tilespmem:v1+s31+$0x0] =	vst.idx.add.f32.msk $0xffff, v63  }
0x96: {  	v1 =	vld [tilespmem:$0x410];
	_ =	sdelay $0x7  }
0x97: {  	[tilespmem:v1+s31+$0x0] =	vst.idx.add.f32.msk $0xffff, v63  }
0x98: {  	v1 =	vld [tilespmem:$0x420];
	_ =	sdelay $0x7  }
0x99: {  	[tilespmem:v1+s31+$0x0] =	vst.idx.add.f32.msk $0xffff, v63  }
0x9a: {  	v1 =	vld [tilespmem:$0x430];
	_ =	sdelay $0x7  }
0x9b: {  	[tilespmem:v1+s31+$0x0] =	vst.idx.add.f32.msk $0xffff, v63  }
0x9c: {  	v1 =	vld [tilespmem:$0x440];
	_ =	sdelay $0x7  }
0x9d: {  	[tilespmem:v1+s31+$0x0] =	vst.idx.add.f32.msk $0xffff, v63  }
0x9e: {  	v1 =	vld [tilespmem:$0x450];
	_ =	sdelay $0x7  }
0x9f: {  	[tilespmem:v1+s31+$0x0] =	vst.idx.add.f32.msk $0xffff, v63  }
0xa0: {  	v1 =	vld [tilespmem:$0x460];
	_ =	sdelay $0x7  }
0xa1: {  	[tilespmem:v1+s31+$0x0] =	vst.idx.add.f32.msk $0xffff, v63  }
0xa2: {  	v1 =	vld [tilespmem:$0x470];
	_ =	sdelay $0x7  }
0xa3: {  	[tilespmem:v1+s31+$0x0] =	vst.idx.add.f32.msk $0xffff, v63  }
0xa4: {  	v1 =	vld [tilespmem:$0x480];
	_ =	sdelay $0x7  }
0xa5: {  	[tilespmem:v1+s31+$0x0] =	vst.idx.add.f32.msk $0xffff, v63  }
0xa6: {  	v1 =	vld [tilespmem:$0x490];
	_ =	sdelay $0x7  }
0xa7: {  	[tilespmem:v1+s31+$0x0] =	vst.idx.add.f32.msk $0xffff, v63  }
0xa8: {  	v1 =	vld [tilespmem:$0x4A0];
	_ =	sdelay $0x7  }
0xa9: {  	[tilespmem:v1+s31+$0x0] =	vst.idx.add.f32.msk $0xffff, v63  }
0xaa: {  	v1 =	vld [tilespmem:$0x4B0];
	_ =	sdelay $0x7  }
0xab: {  	[tilespmem:v1+s31+$0x0] =	vst.idx.add.f32.msk $0xffff, v63  }
0xac: {  	v1 =	vld [tilespmem:$0x4C0];
	_ =	sdelay $0x7  }
0xad: {  	[tilespmem:v1+s31+$0x0] =	vst.idx.add.f32.msk $0xffff, v63  }
0xae: {  	v1 =	vld [tilespmem:$0x4D0];
	_ =	sdelay $0x7  }
0xaf: {  	[tilespmem:v1+s31+$0x0] =	vst.idx.add.f32.msk $0xffff, v63  }
0xb0: {  	v1 =	vld [tilespmem:$0x4E0];
	_ =	sdelay $0x7  }
0xb1: {  	[tilespmem:v1+s31+$0x0] =	vst.idx.add.f32.msk $0xffff, v63  }
0xb2: {  	v1 =	vld [tilespmem:$0x4F0];
	_ =	sdelay $0x7  }
0xb3: {  	[tilespmem:v1+s31+$0x0] =	vst.idx.add.f32.msk $0xffff, v63  }
0xb4: {  	v1 =	vld [tilespmem:$0x500];
	_ =	sdelay $0x7  }
0xb5: {  	[tilespmem:v1+s31+$0x0] =	vst.idx.add.f32.msk $0xffff, v63  }
0xb6: {  	v1 =	vld [tilespmem:$0x510];
	_ =	sdelay $0x7  }
0xb7: {  	[tilespmem:v1+s31+$0x0] =	vst.idx.add.f32.msk $0xffff, v63  }
0xb8: {  	v1 =	vld [tilespmem:$0x520];
	_ =	sdelay $0x7  }
0xb9: {  	[tilespmem:v1+s31+$0x0] =	vst.idx.add.f32.msk $0xffff, v63  }
0xba: {  	v1 =	vld [tilespmem:$0x530];
	_ =	sdelay $0x7  }
0xbb: {  	[tilespmem:v1+s31+$0x0] =	vst.idx.add.f32.msk $0xffff, v63  }
0xbc: {  	v1 =	vld [tilespmem:$0x540];
	_ =	sdelay $0x7  }
0xbd: {  	[tilespmem:v1+s31+$0x0] =	vst.idx.add.f32.msk $0xffff, v63  }
0xbe: {  	v1 =	vld [tilespmem:$0x550];
	_ =	sdelay $0x7  }
0xbf: {  	[tilespmem:v1+s31+$0x0] =	vst.idx.add.f32.msk $0xffff, v63  }
0xc0: {  	v1 =	vld [tilespmem:$0x560];
	_ =	sdelay $0x7  }
0xc1: {  	[tilespmem:v1+s31+$0x0] =	vst.idx.add.f32.msk $0xffff, v63  }
0xc2: {  	v1 =	vld [tilespmem:$0x570];
	_ =	sdelay $0x7  }
0xc3: {  	[tilespmem:v1+s31+$0x0] =	vst.idx.add.f32.msk $0xffff, v63  }
0xc4: {  	v1 =	vld [tilespmem:$0x580];
	_ =	sdelay $0x7  }
0xc5: {  	[tilespmem:v1+s31+$0x0] =	vst.idx.add.f32.msk $0xffff, v63  }
0xc6: {  	v1 =	vld [tilespmem:$0x590];
	_ =	sdelay $0x7  }
0xc7: {  	[tilespmem:v1+s31+$0x0] =	vst.idx.add.f32.msk $0xffff, v63  }
0xc8: {  	v1 =	vld [tilespmem:$0x5A0];
	_ =	sdelay $0x7  }
0xc9: {  	[tilespmem:v1+s31+$0x0] =	vst.idx.add.f32.msk $0xffff, v63  }
0xca: {  	v1 =	vld [tilespmem:$0x5B0];
	_ =	sdelay $0x7  }
0xcb: {  	[tilespmem:v1+s31+$0x0] =	vst.idx.add.f32.msk $0xffff, v63  }
0xcc: {  	v1 =	vld [tilespmem:$0x5C0];
	_ =	sdelay $0x7  }
0xcd: {  	[tilespmem:v1+s31+$0x0] =	vst.idx.add.f32.msk $0xffff, v63  }
0xce: {  	v1 =	vld [tilespmem:$0x5D0];
	_ =	sdelay $0x7  }
0xcf: {  	[tilespmem:v1+s31+$0x0] =	vst.idx.add.f32.msk $0xffff, v63  }
0xd0: {  	v1 =	vld [tilespmem:$0x5E0];
	_ =	sdelay $0x7  }
0xd1: {  	[tilespmem:v1+s31+$0x0] =	vst.idx.add.f32.msk $0xffff, v63  }
0xd2: {  	v1 =	vld [tilespmem:$0x5F0];
	_ =	sdelay $0x7  }
0xd3: {  	[tilespmem:v1+s31+$0x0] =	vst.idx.add.f32.msk $0xffff, v63  }
0xd4: {  	v1 =	vld [tilespmem:$0x600];
	_ =	sdelay $0x7  }
0xd5: {  	[tilespmem:v1+s31+$0x0] =	vst.idx.add.f32.msk $0xffff, v63  }
0xd6: {  	v1 =	vld [tilespmem:$0x610];
	_ =	sdelay $0x7  }
0xd7: {  	[tilespmem:v1+s31+$0x0] =	vst.idx.add.f32.msk $0xffff, v63  }
0xd8: {  	v1 =	vld [tilespmem:$0x620];
	_ =	sdelay $0x7  }
0xd9: {  	[tilespmem:v1+s31+$0x0] =	vst.idx.add.f32.msk $0xffff, v63  }
0xda: {  	v1 =	vld [tilespmem:$0x630];
	_ =	sdelay $0x7  }
0xdb: {  	[tilespmem:v1+s31+$0x0] =	vst.idx.add.f32.msk $0xffff, v63  }
0xdc: {  	v1 =	vld [tilespmem:$0x640];
	_ =	sdelay $0x7  }
0xdd: {  	[tilespmem:v1+s31+$0x0] =	vst.idx.add.f32.msk $0xffff, v63  }
0xde: {  	v1 =	vld [tilespmem:$0x650];
	_ =	sdelay $0x7  }
0xdf: {  	[tilespmem:v1+s31+$0x0] =	vst.idx.add.f32.msk $0xffff, v63  }
0xe0: {  	v1 =	vld [tilespmem:$0x660];
	_ =	sdelay $0x7  }
0xe1: {  	[tilespmem:v1+s31+$0x0] =	vst.idx.add.f32.msk $0xffff, v63  }
0xe2: {  	v1 =	vld [tilespmem:$0x670];
	_ =	sdelay $0x7  }
0xe3: {  	[tilespmem:v1+s31+$0x0] =	vst.idx.add.f32.msk $0xffff, v63  }
0xe4: {  	v1 =	vld [tilespmem:$0x680];
	_ =	sdelay $0x7  }
0xe5: {  	[tilespmem:v1+s31+$0x0] =	vst.idx.add.f32.msk $0xffff, v63  }
0xe6: {  	v1 =	vld [tilespmem:$0x690];
	_ =	sdelay $0x7  }
0xe7: {  	[tilespmem:v1+s31+$0x0] =	vst.idx.add.f32.msk $0xffff, v63  }
0xe8: {  	v1 =	vld [tilespmem:$0x6A0];
	_ =	sdelay $0x7  }
0xe9: {  	[tilespmem:v1+s31+$0x0] =	vst.idx.add.f32.msk $0xffff, v63  }
0xea: {  	v1 =	vld [tilespmem:$0x6B0];
	_ =	sdelay $0x7  }
0xeb: {  	[tilespmem:v1+s31+$0x0] =	vst.idx.add.f32.msk $0xffff, v63  }
0xec: {  	v1 =	vld [tilespmem:$0x6C0];
	_ =	sdelay $0x7  }
0xed: {  	[tilespmem:v1+s31+$0x0] =	vst.idx.add.f32.msk $0xffff, v63  }
0xee: {  	v1 =	vld [tilespmem:$0x6D0];
	_ =	sdelay $0x7  }
0xef: {  	[tilespmem:v1+s31+$0x0] =	vst.idx.add.f32.msk $0xffff, v63  }
0xf0: {  	v1 =	vld [tilespmem:$0x6E0];
	_ =	sdelay $0x7  }
0xf1: {  	[tilespmem:v1+s31+$0x0] =	vst.idx.add.f32.msk $0xffff, v63  }
0xf2: {  	v1 =	vld [tilespmem:$0x6F0];
	_ =	sdelay $0x7  }
0xf3: {  	[tilespmem:v1+s31+$0x0] =	vst.idx.add.f32.msk $0xffff, v63  }
0xf4: {  	v1 =	vld [tilespmem:$0x700];
	_ =	sdelay $0x7  }
0xf5: {  	[tilespmem:v1+s31+$0x0] =	vst.idx.add.f32.msk $0xffff, v63  }
0xf6: {  	v1 =	vld [tilespmem:$0x710];
	_ =	sdelay $0x7  }
0xf7: {  	[tilespmem:v1+s31+$0x0] =	vst.idx.add.f32.msk $0xffff, v63  }
0xf8: {  	v1 =	vld [tilespmem:$0x720];
	_ =	sdelay $0x7  }
0xf9: {  	[tilespmem:v1+s31+$0x0] =	vst.idx.add.f32.msk $0xffff, v63  }
0xfa: {  	v1 =	vld [tilespmem:$0x730];
	_ =	sdelay $0x7  }
0xfb: {  	[tilespmem:v1+s31+$0x0] =	vst.idx.add.f32.msk $0xffff, v63  }
0xfc: {  	v1 =	vld [tilespmem:$0x740];
	_ =	sdelay $0x7  }
0xfd: {  	[tilespmem:v1+s31+$0x0] =	vst.idx.add.f32.msk $0xffff, v63  }
0xfe: {  	v1 =	vld [tilespmem:$0x750];
	_ =	sdelay $0x7  }
0xff: {  	[tilespmem:v1+s31+$0x0] =	vst.idx.add.f32.msk $0xffff, v63  }
0x100: {  	v1 =	vld [tilespmem:$0x760];
	_ =	sdelay $0x7  }
0x101: {  	[tilespmem:v1+s31+$0x0] =	vst.idx.add.f32.msk $0xffff, v63  }
0x102: {  	v1 =	vld [tilespmem:$0x770];
	_ =	sdelay $0x7  }
0x103: {  	[tilespmem:v1+s31+$0x0] =	vst.idx.add.f32.msk $0xffff, v63  }
0x104: {  	v1 =	vld [tilespmem:$0x780];
	_ =	sdelay $0x7  }
0x105: {  	[tilespmem:v1+s31+$0x0] =	vst.idx.add.f32.msk $0xffff, v63  }
0x106: {  	v1 =	vld [tilespmem:$0x790];
	_ =	sdelay $0x7  }
0x107: {  	[tilespmem:v1+s31+$0x0] =	vst.idx.add.f32.msk $0xffff, v63  }
0x108: {  	v1 =	vld [tilespmem:$0x7A0];
	_ =	sdelay $0x7  }
0x109: {  	[tilespmem:v1+s31+$0x0] =	vst.idx.add.f32.msk $0xffff, v63  }
0x10a: {  	v1 =	vld [tilespmem:$0x7B0];
	_ =	sdelay $0x7  }
0x10b: {  	[tilespmem:v1+s31+$0x0] =	vst.idx.add.f32.msk $0xffff, v63  }
0x10c: {  	v1 =	vld [tilespmem:$0x7C0];
	_ =	sdelay $0x7  }
0x10d: {  	[tilespmem:v1+s31+$0x0] =	vst.idx.add.f32.msk $0xffff, v63  }
0x10e: {  	v1 =	vld [tilespmem:$0x7D0];
	_ =	sdelay $0x7  }
0x10f: {  	[tilespmem:v1+s31+$0x0] =	vst.idx.add.f32.msk $0xffff, v63  }
0x110: {  	v1 =	vld [tilespmem:$0x7E0];
	_ =	sdelay $0x7  }
0x111: {  	[tilespmem:v1+s31+$0x0] =	vst.idx.add.f32.msk $0xffff, v63  }
0x112: {  	v1 =	vld [tilespmem:$0x7F0];
	_ =	sdelay $0x6  }
0x113: {  	s5 =	sshrl.u32 s5, $0x2  }
0x114: {  	s5 =	sadd.s32 s5, s4;
	[tilespmem:v1+s31+$0x0] =	vst.idx.add.f32.msk $0xffff, v63  }
0x115: {  	[spmem:s5] =	stream.linear.scatter [tilespmem:s31], [sflag:$0x3], $0x40, $0x38;
	[tilespmem:$0xE40] =	vst v63  }
0x116: {  	s5 =	simm.s32 $0x3  }
0x117: {  	_ =	swait.ge [sflag:s5], $0x40  }
0x118: {  	[sflag:s5] =	ssyncset.done $0x0  }
0x119: {  	[sflag:s5] =	ssyncadd.s32 $0xFFFFFFC0  }
0x11a: {  	[bflag:$0x0] =	sbarrier.arrive $0xFFFF  }
0x11b: {  	_ =	sfence.sel @p0 $0x180000  }
0x11c: {  	[bflag:$0x0] =	sbarrier.arrive @p0 $0xFFFF  }
0x11d: {  	_ =	strace @p0 $0x90000047  }
0x11e: {  	[bflag:$0x2] =	sbarrier.arrive @p0 $0xFFFF  }
0x11f: {  	_ =	shalt @p0  }
.LBB2_1:
0x120: {  	s6 =	simm.s32 $0x880  }
0x121: {  	[tilespmem:s6], [sflag:$0x3] =	stream.linear.gather [spmem:s4], $0x400, $0x38;
	[tilespmem:$0xE40] =	vst v63  }
0x122: {  	_ =	swait.ge [sflag:s5], $0x400  }
0x123: {  	[sflag:s5] =	ssyncset.done $0x0  }
0x124: {  	s28 =	simm.s32 $0x2;
	[sflag:s5] =	ssyncadd.s32 $0xFFFFFC00  }
0x125: {  	_ =	swait.ge [sflag:s28], $0x80  }
0x126: {  	[sflag:s28] =	ssyncset.done $0x0  }
0x127: {  	[sflag:s28] =	ssyncadd.s32 $0xFFFFFF80  }
0x128: {  	v0 =	vld [tilespmem:$0x880]  }
0x129: {  	v1 =	vld [tilespmem:$0x8C0]  }
0x12a: {  	v2 =	vld [tilespmem:$0x900]  }
0x12b: {  	v3 =	vld [tilespmem:$0x940]  }
0x12c: {  	v4 =	vld [tilespmem:$0x980]  }
0x12d: {  	v5 =	vld [tilespmem:$0x9C0]  }
0x12e: {  	v6 =	vld [tilespmem:$0xA00]  }
0x12f: {  	v7 =	vld [tilespmem:$0xA40]  }
0x130: {  	v8 =	vld [tilespmem:$0xA80]  }
0x131: {  	v9 =	vld [tilespmem:$0xAC0]  }
0x132: {  	v10 =	vld [tilespmem:$0xB00]  }
0x133: {  	v11 =	vld [tilespmem:$0xB40]  }
0x134: {  	v12 =	vld [tilespmem:$0xB80]  }
0x135: {  	v13 =	vld [tilespmem:$0xBC0]  }
0x136: {  	v14 =	vld [tilespmem:$0xC00]  }
0x137: {  	v15 =	vld [tilespmem:$0xC40]  }
0x138: {  	v16 =	vld [tilespmem:$0x890]  }
0x139: {  	v17 =	vld [tilespmem:$0x8D0]  }
0x13a: {  	v18 =	vld [tilespmem:$0x910]  }
0x13b: {  	v19 =	vld [tilespmem:$0x950]  }
0x13c: {  	v20 =	vld [tilespmem:$0x990]  }
0x13d: {  	v21 =	vld [tilespmem:$0x9D0]  }
0x13e: {  	v22 =	vld [tilespmem:$0xA10]  }
0x13f: {  	v23 =	vld [tilespmem:$0xA50]  }
0x140: {  	v24 =	vld [tilespmem:$0xA90]  }
0x141: {  	v25 =	vld [tilespmem:$0xAD0]  }
0x142: {  	v26 =	vld [tilespmem:$0xB10]  }
0x143: {  	v27 =	vld [tilespmem:$0xB50]  }
0x144: {  	v28 =	vld [tilespmem:$0xB90]  }
0x145: {  	v29 =	vld [tilespmem:$0xBD0]  }
0x146: {  	v30 =	vld [tilespmem:$0xC10]  }
0x147: {  	v31 =	vld [tilespmem:$0xC50]  }
0x148: {  	v32 =	vld [tilespmem:$0x8A0]  }
0x149: {  	v33 =	vld [tilespmem:$0x8E0]  }
0x14a: {  	v34 =	vld [tilespmem:$0x920]  }
0x14b: {  	v35 =	vld [tilespmem:$0x960]  }
0x14c: {  	v36 =	vld [tilespmem:$0x8B0]  }
0x14d: {  	v48 =	vld [tilespmem:$0x8F0];
	v0 =	vadd.f32 v1, v0  }
0x14e: {  	v49 =	vld [tilespmem:$0x9A0];
	v16 =	vadd.f32 v17, v16  }
0x14f: {  	v51 =	vld [tilespmem:$0x930];
	v50 =	vadd.f32 v33, v32;
	v0 =	vadd.f32 v2, v0  }
0x150: {  	v52 =	vld [tilespmem:$0x9E0];
	v16 =	vadd.f32 v18, v16  }
0x151: {  	v53 =	vld [tilespmem:$0x970];
	v2 =	vadd.f32 v34, v50;
	v0 =	vadd.f32 v3, v0  }
0x152: {  	v54 =	vld [tilespmem:$0xA20];
	v1 =	vadd.f32 v48, v36;
	v16 =	vadd.f32 v19, v16  }
0x153: {  	v55 =	vld [tilespmem:$0x9B0];
	v2 =	vadd.f32 v35, v2;
	v0 =	vadd.f32 v4, v0  }
0x154: {  	v56 =	vld [tilespmem:$0xA60];
	v1 =	vadd.f32 v51, v1;
	v16 =	vadd.f32 v20, v16  }
0x155: {  	v57 =	vld [tilespmem:$0x9F0];
	v2 =	vadd.f32 v49, v2;
	v0 =	vadd.f32 v5, v0  }
0x156: {  	v58 =	vld [tilespmem:$0xAA0];
	v1 =	vadd.f32 v53, v1;
	v16 =	vadd.f32 v21, v16  }
0x157: {  	v59 =	vld [tilespmem:$0xA30];
	v2 =	vadd.f32 v52, v2;
	v0 =	vadd.f32 v6, v0  }
0x158: {  	v60 =	vld [tilespmem:$0xAE0];
	v1 =	vadd.f32 v55, v1;
	v16 =	vadd.f32 v22, v16  }
0x159: {  	v61 =	vld [tilespmem:$0xA70];
	v2 =	vadd.f32 v54, v2;
	v0 =	vadd.f32 v7, v0  }
0x15a: {  	v62 =	vld [tilespmem:$0xB20];
	v1 =	vadd.f32 v57, v1;
	v16 =	vadd.f32 v23, v16  }
0x15b: {  	v63 =	vld [tilespmem:$0xAB0];
	v2 =	vadd.f32 v56, v2;
	v0 =	vadd.f32 v8, v0  }
0x15c: {  	v32 =	vld [tilespmem:$0xC80];
	v1 =	vadd.f32 v59, v1;
	v16 =	vadd.f32 v24, v16  }
0x15d: {  	v19 =	vld [tilespmem:$0xAF0];
	v2 =	vadd.f32 v58, v2;
	v0 =	vadd.f32 v9, v0  }
0x15e: {  	v18 =	vld [tilespmem:$0xB60];
	v1 =	vadd.f32 v61, v1;
	v20 =	vadd.f32 v25, v16  }
0x15f: {  	v22 =	vld [tilespmem:$0xB30];
	v2 =	vadd.f32 v60, v2;
	v0 =	vadd.f32 v10, v0  }
0x160: {  	v21 =	vld [tilespmem:$0xBA0];
	v1 =	vadd.f32 v63, v1;
	v9 =	vadd.f32 v26, v20  }
0x161: {  	v24 =	vld [tilespmem:$0xB70];
	v2 =	vadd.f32 v62, v2;
	v0 =	vadd.f32 v11, v0  }
0x162: {  	v23 =	vld [tilespmem:$0xBE0];
	v1 =	vadd.f32 v19, v1;
	v9 =	vadd.f32 v27, v9  }
0x163: {  	v26 =	vld [tilespmem:$0xBB0];
	v2 =	vadd.f32 v18, v2;
	v0 =	vadd.f32 v12, v0  }
0x164: {  	v25 =	vld [tilespmem:$0xC20];
	v1 =	vadd.f32 v22, v1;
	v9 =	vadd.f32 v28, v9  }
0x165: {  	v2 =	vadd.f32 v21, v2;
	v28 =	vld [tilespmem:$0xBF0];
	v0 =	vadd.f32 v13, v0  }
0x166: {  	v27 =	vld [tilespmem:$0xC60];
	v1 =	vadd.f32 v24, v1;
	v9 =	vadd.f32 v29, v9  }
0x167: {  	v29 =	vld [tilespmem:$0xC30];
	v2 =	vadd.f32 v23, v2;
	v0 =	vadd.f32 v14, v0  }
0x168: {  	v34 =	vld [tilespmem:$0xC90];
	v1 =	vadd.f32 v26, v1;
	v9 =	vadd.f32 v30, v9  }
0x169: {  	v33 =	vld [tilespmem:$0xC70];
	v2 =	vadd.f32 v25, v2;
	v0 =	vadd.f32 v15, v0  }
0x16a: {  	v35 =	vld [tilespmem:$0xCA0];
	v1 =	vadd.f32 v28, v1;
	v9 =	vadd.f32 v31, v9  }
0x16b: {  	v37 =	vmul.f32 $8.999999760e-01, v32;
	v36 =	vmul.f32 $3.051757810e-05, v0  }
0x16c: {  	v40 =	vld [tilespmem:$0xCB0];
	v2 =	vadd.f32 v27, v2;
	v1 =	vadd.f32 v29, v1;
	v38 =	vmul.f32 $3.051757810e-05, v9  }
0x16d: {  	v3 =	vmul.f32 $8.999999760e-01, v34;
	v4 =	vmul.f32 $1.000000010e-01, v36  }
0x16e: {  	v39 =	vmul.f32 $3.051757810e-05, v2;
	v1 =	vadd.f32 v33, v1;
	v41 =	vmul.f32 $1.000000010e-01, v38  }
0x16f: {  	v42 =	vmul.f32 $8.999999760e-01, v35;
	v4 =	vadd.f32 v37, v4  }
0x170: {  	v43 =	vmul.f32 $1.000000010e-01, v39;
	v44 =	vmul.f32 $3.051757810e-05, v1;
	v3 =	vadd.f32 v3, v41  }
0x171: {  	v46 =	vmul.f32 $8.999999760e-01, v40;
	v45 =	vadd.f32 $9.999999970e-07, v4  }
0x172: {  	v5 =	vadd.f32 v42, v43;
	v6 =	vmul.f32 $1.000000010e-01, v44;
	v47 =	vadd.f32 $9.999999970e-07, v3  }
0x173: {  	(erf) = vrcp.f32 v45  }
0x174: {  	v48 =	vadd.f32 $9.999999970e-07, v5;
	v6 =	vadd.f32 v46, v6;
	(erf) = vrcp.f32 v47;
	_ =	sdelay $0x1  }
0x175: {  	v49 =	vadd.f32 $9.999999970e-07, v6;
	(erf) = vrcp.f32 v48;
	_ =	sdelay $0x1  }
0x176: {  	(erf) = vrcp.f32 v49;
	_ =	sdelay $0x3  }
0x177: {  	v50 =	vpop (erf)  }
0x178: {  	v51 =	vpop (erf)  }
0x179: {  	v52 =	vadd.f32 v51, v50  }
0x17a: {  	v53 =	vpop (erf)  }
0x17b: {  	v10 =	vadd.f32 v53, v52  }
0x17c: {  	v54 =	vpop (erf)  }
0x17d: {  	v10 =	vadd.f32 v54, v10;
	_ =	sdelay $0x1  }
0x17e: {  	(xrf2) =	vadd.scan.msk.f32 $0xffff, v10;
	_ =	sdelay $0x9  }
0x17f: {  	v10, _, _ =	vpop (xrf2)  }
0x180: {  	v10 =	vbroadcast v10, $0xF;
	_ =	sdelay $0x1  }
0x181: {  	(erf) = vrcp.f32 v10;
	_ =	sdelay $0x8  }
0x182: {  	v10 =	vpop (erf)  }
0x183: {  	v7 =	vmul.f32 v10, v50;
	v8 =	vmul.f32 v10, v51  }
0x184: {  	v11 =	vmul.f32 v10, v53  }
0x185: {  	v7 =	vmul.f32 $3.000000120e-01, v7;
	v8 =	vmul.f32 $3.000000120e-01, v8  }
0x186: {  	v10 =	vmul.f32 v10, v54  }
0x187: {  	v11 =	vmul.f32 $3.000000120e-01, v11;
	v7 =	vadd.f32 $1.093749980e-02, v7;
	v8 =	vadd.f32 $1.093749980e-02, v8  }
0x188: {  	v10 =	vmul.f32 $3.000000120e-01, v10  }
0x189: {  	v11 =	vadd.f32 $1.093749980e-02, v11;
	v7 =	vmax.f32 v7, $7.812500000e-03;
	v8 =	vmax.f32 v8, $7.812500000e-03  }
0x18a: {  	v55 =	vadd.f32 v8, v7  }
0x18b: {  	v0 =	vadd.f32 v9, v0;
	v10 =	vadd.f32 $1.093749980e-02, v10;
	v11 =	vmax.f32 v11, $7.812500000e-03  }
0x18c: {  	v56 =	vadd.f32 v55, v11  }
0x18d: {  	v0 =	vadd.f32 v2, v0;
	v10 =	vmax.f32 v10, $7.812500000e-03  }
0x18e: {  	v57 =	vadd.f32 v56, v10  }
0x18f: {  	v0 =	vadd.f32 v1, v0  }
0x190: {  	(xrf2) =	vadd.scan.msk.f32 $0xffff, v57  }
0x191: {  	(xrf2) =	vadd.scan.msk.f32 $0xffff, v0;
	_ =	sdelay $0x8  }
0x192: {  	v58, _, _ =	vpop (xrf2)  }
0x193: {  	v59, _, _ =	vpop (xrf2)  }
0x194: {  	(v2sf) =	vpush v59, $0xF;
	_ =	sdelay $0x3  }
0x195: {  	v0 =	vbroadcast v58, $0xF;
	_ =	sdelay $0x1  }
0x196: {  	(erf) = vrcp.f32 v0;
	_ =	sdelay $0x8  }
0x197: {  	v0 =	vpop (erf);
	s29 =	spop (v2sf)  }
0x198: {  	v60 =	vmul.f32 v0, v7;
	s5 =	sadd.f32 s29, s29  }
0x199: {  	v61 =	vmul.f32 v0, v8;
	v62 =	vmul.f32 v0, v11  }
0x19a: {  	v0 =	vmul.f32 v0, v10;
	v1 =	vmul.f32 s5, v60  }
0x19b: {  	v2 =	vmul.f32 s5, v61;
	v7 =	vmul.f32 s5, v62  }
0x19c: {  	v0 =	vmul.f32 s5, v0;
	v1 =	vtrunc.f32 v1  }
0x19d: {  	[tilespmem:$0xD80] =	vst v4;
	v2 =	vtrunc.f32 v2;
	v1 =	vcvt.f32.s32 v1  }
0x19e: {  	[tilespmem:$0xD90] =	vst v3;
	v0 =	vtrunc.f32 v0;
	v2 =	vcvt.f32.s32 v2  }
0x19f: {  	[tilespmem:$0xDA0] =	vst v5;
	v7 =	vtrunc.f32 v7;
	v0 =	vcvt.f32.s32 v0;
	vm0 =	vgt.s32 v1, $0x1  }
0x1a0: {  	[tilespmem:$0xDB0] =	vst v6;
	v63 =	vcvt.f32.s32 v7;
	vm13 =	vgt.s32 v2, $0x1;
	v1 =	vnsel vm0, $0x1, v1  }
0x1a1: {  	vm15 =	vgt.s32 v0, $0x1;
	v2 =	vnsel vm13, $0x1, v2;
	[tilespmem:$0xD00] =	vst v1  }
0x1a2: {  	vm14 =	vgt.s32 v63, $0x1;
	v0 =	vnsel vm15, $0x1, v0;
	[tilespmem:$0xD10] =	vst v2  }
0x1a3: {  	v1 =	vnsel vm14, $0x1, v63;
	[tilespmem:$0xD30] =	vst v0  }
0x1a4: {  	s30 =	simm.s32 $0xD00;
	[tilespmem:$0xD20] =	vst v1  }
0x1a5: {  	[hbm4b:s2+s3] =	stream.linear.scatter [tilespmem:s30], [sflag:$0x2], $0x80, $0x38;
	[tilespmem:$0xE40] =	vst v63  }
0x1a6: {  	s31 =	simm.s32 $0xD80  }
0x1a7: {  	[hbm4b:s1+s3] =	stream.linear.scatter [tilespmem:s31], [sflag:$0x2], $0x80, $0x38;
	[tilespmem:$0xE40] =	vst v63  }
0x1a8: {  	_ =	swait.ge [sflag:s28], $0x80  }
0x1a9: {  	[sflag:s28] =	ssyncset.done $0x0  }
0x1aa: {  	[sflag:s28] =	ssyncadd.s32 $0xFFFFFF80  }
0x1ab: {  	_ =	swait.ge [sflag:s28], $0x80  }
0x1ac: {  	[sflag:s28] =	ssyncset.done $0x0  }
0x1ad: {  	[sflag:s28] =	ssyncadd.s32 $0xFFFFFF80  }
0x1ae: {  	_ =	sfence.sel $0x180000  }
0x1af: {  	[bflag:$0x0] =	sbarrier.arrive $0xFFFF  }
0x1b0: {  	_ =	strace $0x90000047  }
0x1b1: {  	s0 =	sadd.s32 $0x100000, s0;
	[bflag:$0x2] =	sbarrier.arrive $0xFFFF  }
0x1b2: {  	[sflag:s0] =	ssyncadd.tile.s32 $0x1;
	_ =	shalt  }
.Lfunc_end2:
_tile_overlayer_lowered:
.L_overlay_start_2:
0x1b3: {  	(tag) =	ssettag $0x2  }
0x1b4: {  	s0 =	rddreg [dreg:$0x0];
	s2 =	stileid.u32  }
0x1b5: {  	s1 =	rddreg [dreg:$0x1];
	p0 =	sne.s32 s2, $0x0  }
0x1b6: {  	s3 =	rddreg [dreg:$0x2];
	[bflag:$0x3] =	sbarrier.arrive $0xFFFF;
	s2 =	simm.s32 @!p0 $0x1C03  }
0x1b7: {  	[timem:s3], [sflag:s2] =	dma.local @!p0 [hbm:s0], s1  }
0x1b8: {  	s0 =	simm.s32 @!p0 $0x3  }
0x1b9: {  	_ =	swait.ge @!p0 [sflag:s0], s1  }
0x1ba: {  	s1 =	ssub.s32 @!p0 $0x0, s1;
	[sflag:s0] =	ssyncset.done @!p0 $0x0  }
0x1bb: {  	[sflag:s0] =	ssyncadd.s32 @!p0 s1  }
0x1bc: {  	[bflag:$0x3] =	sbarrier.arrive $0xFFFF  }
0x1bd: {  	_ =	shalt  }

</sc_bundles>
